<compile_context>
chip_gen: v7x
topology: tpu7x:2x2x1
jax: 0.10.2.dev20260603
libtpu: 0.0.44.dev20260713+nightly
codegen_flags: <defaults>
</compile_context>

<pallas_src>
import functools

import jax
import jax.numpy as jnp
from jax import lax
from jax.experimental import pallas as pl
from jax.experimental.pallas import tpu as pltpu
from jax.experimental.pallas import tpu_sc as plsc

_NC = 2
_NS = 16
_L = 16
_NW = _NC * _NS
_NBUF = 2
_NSUB = 4


@functools.lru_cache(maxsize=None)
def _build(T, V, D, B):
    RW = B // _NW
    RCH = 64
    CH = RCH * T
    SUB = CH // _NSUB
    NCH = RW // RCH
    NV = CH // _L
    assert RW % RCH == 0 and CH % _NSUB == 0 and SUB % 8 == 0

    mesh = plsc.VectorSubcoreMesh(
        core_axis_name="c", subcore_axis_name="s",
        num_cores=_NC, num_subcores=_NS)

    N = B * T

    @functools.partial(
        pl.kernel,
        out_type=jax.ShapeDtypeStruct((N, D), jnp.float32),
        mesh=mesh,
        scratch_types=[
            pltpu.VMEM((RCH, T), jnp.int32),
            pltpu.VMEM((NV * _L,), jnp.int32),
            pltpu.VMEM((NV * _L,), jnp.int32),
            pltpu.VMEM((NV * _L,), jnp.int32),
        ] + [pltpu.VMEM((CH,), jnp.int32) for _ in range(_NBUF)]
          + [pltpu.VMEM((CH, D), jnp.float32) for _ in range(_NBUF)]
          + [pltpu.SemaphoreType.DMA for _ in range(_NBUF * _NSUB)]
          + [pltpu.SemaphoreType.DMA for _ in range(_NBUF)],
        compiler_params=pltpu.CompilerParams(
            use_tc_tiling_on_sc=False, disable_bounds_checks=True,
            needs_layout_passes=False),
    )
    def k(x_hbm, tab_hbm, out_hbm, xblk, rowp, colp, offp, *rest):
        idxs = rest[:_NBUF]
        bufs = rest[_NBUF:2 * _NBUF]
        gsems = rest[2 * _NBUF:2 * _NBUF + _NBUF * _NSUB]
        wsems = rest[2 * _NBUF + _NBUF * _NSUB:]
        wid = lax.axis_index("s") * _NC + lax.axis_index("c")
        row_base = wid * RW

        lanes = lax.iota(jnp.int32, _L)

        def pat_body(j, carry):
            row, col = carry
            rowp[pl.ds(j * _L, _L)] = row
            colp[pl.ds(j * _L, _L)] = col
            offp[pl.ds(j * _L, _L)] = col * V
            ncol = col + _L
            wrapped = ncol >= T
            return (jnp.where(wrapped, row + 1, row),
                    jnp.where(wrapped, ncol - T, ncol))
        lax.fori_loop(0, NV, pat_body, (lanes * 0, lanes))

        def prep(c):
            pltpu.sync_copy(
                x_hbm.at[pl.ds(row_base + c * RCH, RCH)], xblk)
            dst = idxs[c % _NBUF]

            def flat_body(j, carry):
                p = j * _L
                v = plsc.load_gather(
                    xblk, [rowp[pl.ds(p, _L)], colp[pl.ds(p, _L)]])
                dst[pl.ds(p, _L)] = v + offp[pl.ds(p, _L)]
                return carry
            lax.fori_loop(0, NV, flat_body, 0)

        def gather(c):
            b = c % _NBUF
            cps = []
            for s in range(_NSUB):
                cps.append(pltpu.async_copy(
                    tab_hbm.at[idxs[b].at[pl.ds(s * SUB, SUB)]],
                    bufs[b].at[pl.ds(s * SUB, SUB)],
                    gsems[b * _NSUB + s]))
            return cps

        def writeback(c):
            return pltpu.async_copy(
                bufs[c % _NBUF],
                out_hbm.at[pl.ds((row_base + c * RCH) * T, CH)],
                wsems[c % _NBUF])

        gcopies = [None] * NCH
        wcopies = [None] * NCH
        for c in range(_NBUF):
            prep(c)
            gcopies[c] = gather(c)
        for c in range(NCH):
            for cp in gcopies[c]:
                cp.wait()
            wcopies[c] = writeback(c)
            if c + _NBUF < NCH:
                wcopies[c].wait()
                prep(c + _NBUF)
                gcopies[c + _NBUF] = gather(c + _NBUF)
        for c in range(NCH - _NBUF, NCH):
            wcopies[c].wait()

    return k


def kernel(x, tables):
    if x.ndim <= 1:
        x = x[None, :]
    B, T = x.shape
    _, V, D = tables.shape
    out = _build(T, V, D, B)(x, tables.reshape(T * V, D))
    return out.reshape(B, T * D)

# --- scband reference (transcript-rebuilt; emitter-appended) ---
"""Pipeline reference for scband-concatenated-embeddings-12481174962833 (READ-ONLY COPY).

The authoritative reference and input builder live on the scoring server;
editing this copy changes nothing except your own understanding.
"""

import jax, jax.numpy as jnp
import numpy as np

NUM_TABLES = 26
VOCAB = 100000
EMB = 32
BATCH = 16384


def setup_inputs(seed: int = 0) -> dict:
    key = jax.random.key(seed)
    k_idx, k_tab = jax.random.split(key)
    x = jax.random.randint(k_idx, (BATCH, NUM_TABLES), 0, VOCAB, dtype=jnp.int32)
    # All 26 tables share shape (VOCAB, EMB), stored stacked as [NUM_TABLES, VOCAB, EMB]
    tables = jax.random.normal(k_tab, (NUM_TABLES, VOCAB, EMB), dtype=jnp.float32) * 0.05
    return {"x": x, "tables": tables}


def reference(x, tables):
    # ConcatenatedEmbeddings.forward: per-column embedding lookup, then concat on dim=1.
    # Dropout with p=0.0 is the identity (eval semantics), so it is omitted.
    if x.ndim <= 1:
        x = x[None, :]
    embs = [tables[i][x[:, i]] for i in range(NUM_TABLES)]  # each [B, EMB]
    out = jnp.concatenate(embs, axis=1)  # [B, NUM_TABLES * EMB]
    return out

if __name__ == "__main__":
    import jax
    _d = setup_inputs()
    print(jax.jit(kernel)(*tuple(_d.values())))

</pallas_src>

<mosaic_0001>
#map = affine_map<(d0, d1) -> (0, 0)>
module attributes {stable_mosaic.version = 14 : i64} {
  func.func @k(%arg0: i32, %arg1: i32, %arg2: memref<16384x26xi32, #tpu.memory_space<hbm>>, %arg3: memref<2600000x32xf32, #tpu.memory_space<hbm>>, %arg4: memref<425984x32xf32, #tpu.memory_space<hbm>>, %arg5: memref<64x26xi32, #tpu.memory_space<vmem>>, %arg6: memref<1664xi32, #tpu.memory_space<vmem>>, %arg7: memref<1664xi32, #tpu.memory_space<vmem>>, %arg8: memref<1664xi32, #tpu.memory_space<vmem>>, %arg9: memref<1664xi32, #tpu.memory_space<vmem>>, %arg10: memref<1664xi32, #tpu.memory_space<vmem>>, %arg11: memref<1664x32xf32, #tpu.memory_space<vmem>>, %arg12: memref<1664x32xf32, #tpu.memory_space<vmem>>, %arg13: memref<!tpu.dma_semaphore, #tpu.memory_space<semaphore_mem>>, %arg14: memref<!tpu.dma_semaphore, #tpu.memory_space<semaphore_mem>>, %arg15: memref<!tpu.dma_semaphore, #tpu.memory_space<semaphore_mem>>, %arg16: memref<!tpu.dma_semaphore, #tpu.memory_space<semaphore_mem>>, %arg17: memref<!tpu.dma_semaphore, #tpu.memory_space<semaphore_mem>>, %arg18: memref<!tpu.dma_semaphore, #tpu.memory_space<semaphore_mem>>, %arg19: memref<!tpu.dma_semaphore, #tpu.memory_space<semaphore_mem>>, %arg20: memref<!tpu.dma_semaphore, #tpu.memory_space<semaphore_mem>>, %arg21: memref<!tpu.dma_semaphore, #tpu.memory_space<semaphore_mem>>, %arg22: memref<!tpu.dma_semaphore, #tpu.memory_space<semaphore_mem>>) attributes {dimension_semantics = [#tpu.dimension_semantics<core_parallel>, #tpu.dimension_semantics<subcore_parallel>], iteration_bounds = array<i64: 2, 16>, scalar_prefetch = 0 : i64, scratch_operands = 18 : i64, tpu.core_type = #tpu.core_type<sc_vector_subcore>, window_params = [{transform_indices = #map}, {transform_indices = #map}, {transform_indices = #map}]} {
    %mul3A = arith.constant 2 : i32
    %mul3A_0 = arith.muli %arg1, %mul3A : i32
    %add3A = arith.addi %mul3A_0, %arg0 : i32
    %mul3A_1 = arith.constant 512 : i32
    %mul3A_2 = arith.muli %add3A, %mul3A_1 : i32
    %iota3A = tpu.iota {dimensions = array<i32: 0>} : vector<16xi32>
    %mul3A_3 = arith.constant 0 : i32
    %mul3A_4 = vector.broadcast %mul3A_3 : i32 to vector<16xi32>
    %mul3A_5 = arith.muli %iota3A, %mul3A_4 : vector<16xi32>
    %scan3A = arith.constant 0 : i32
    %scan3A_6 = arith.constant 104 : i32
    %scan3A_7 = arith.addi %scan3A, %scan3A_6 : i32
    %scan3A_8 = arith.constant 1 : i32
    %scan3A_9:2 = scf.for %scan3A_681 = %scan3A to %scan3A_7 step %scan3A_8 iter_args(%scan3A_682 = %mul3A_5, %scan3A_683 = %iota3A) -> (vector<16xi32>, vector<16xi32>)  : i32 {
      %mul3A_684 = arith.constant 16 : i32
      %mul3A_685 = arith.muli %scan3A_681, %mul3A_684 : i32
      %swap3A = arith.index_cast %mul3A_685 : i32 to index
      %swap3A_686 = tpu.vector_load %arg6[%swap3A] {strides = array<i32>} : memref<1664xi32, #tpu.memory_space<vmem>>, vector<16xi32>,
      tpu.vector_store %arg6[%swap3A], %scan3A_682 {strides = array<i32>} : memref<1664xi32, #tpu.memory_space<vmem>>, vector<16xi32>,
      %mul3A_687 = arith.constant 16 : i32
      %mul3A_688 = arith.muli %scan3A_681, %mul3A_687 : i32
      %swap3A_689 = arith.index_cast %mul3A_688 : i32 to index
      %swap3A_690 = tpu.vector_load %arg7[%swap3A_689] {strides = array<i32>} : memref<1664xi32, #tpu.memory_space<vmem>>, vector<16xi32>,
      tpu.vector_store %arg7[%swap3A_689], %scan3A_683 {strides = array<i32>} : memref<1664xi32, #tpu.memory_space<vmem>>, vector<16xi32>,
      %mul3A_691 = arith.constant 100000 : i32
      %mul3A_692 = vector.broadcast %mul3A_691 : i32 to vector<16xi32>
      %mul3A_693 = arith.muli %scan3A_683, %mul3A_692 : vector<16xi32>
      %mul3A_694 = arith.constant 16 : i32
      %mul3A_695 = arith.muli %scan3A_681, %mul3A_694 : i32
      %swap3A_696 = arith.index_cast %mul3A_695 : i32 to index
      %swap3A_697 = tpu.vector_load %arg8[%swap3A_696] {strides = array<i32>} : memref<1664xi32, #tpu.memory_space<vmem>>, vector<16xi32>,
      tpu.vector_store %arg8[%swap3A_696], %mul3A_693 {strides = array<i32>} : memref<1664xi32, #tpu.memory_space<vmem>>, vector<16xi32>,
      %add3A_698 = arith.constant 16 : i32
      %add3A_699 = vector.broadcast %add3A_698 : i32 to vector<16xi32>
      %add3A_700 = arith.addi %scan3A_683, %add3A_699 : vector<16xi32>
      %ge3A = arith.constant 26 : i32
      %ge3A_701 = vector.broadcast %ge3A : i32 to vector<16xi32>
      %ge3A_702 = arith.cmpi sge, %add3A_700, %ge3A_701 : vector<16xi32>
      %add3A_703 = arith.constant 1 : i32
      %add3A_704 = vector.broadcast %add3A_703 : i32 to vector<16xi32>
      %add3A_705 = arith.addi %scan3A_682, %add3A_704 : vector<16xi32>
      %select_n3A = arith.select %ge3A_702, %add3A_705, %scan3A_682 : vector<16xi1>, vector<16xi32>
      %sub3A = arith.constant 26 : i32
      %sub3A_706 = vector.broadcast %sub3A : i32 to vector<16xi32>
      %sub3A_707 = arith.subi %add3A_700, %sub3A_706 : vector<16xi32>
      %select_n3A_708 = arith.select %ge3A_702, %sub3A_707, %add3A_700 : vector<16xi1>, vector<16xi32>
      scf.yield %select_n3A, %select_n3A_708 : vector<16xi32>, vector<16xi32>
    }
    %scan3A_10 = arith.constant 104 : i32
    %add3A_11 = arith.constant 0 : i32
    %add3A_12 = arith.addi %mul3A_2, %add3A_11 : i32
    "tpu.region"() ({
      %run_scoped3A = tpu.sem_alloc : memref<!tpu.dma_semaphore, #tpu.memory_space<semaphore_mem>>
      %dma_start3A_681 = arith.constant 0 : i32
      %dma_start3A_682 = tpu.memref_slice %arg2[%add3A_12, %dma_start3A_681] : memref<16384x26xi32, #tpu.memory_space<hbm>> -> memref<64x26xi32, #tpu.memory_space<hbm>>
      %dma_start3A_683 = arith.constant 0 : i32
      %dma_start3A_684 = tpu.memref_slice %arg2[%add3A_12, %dma_start3A_683] : memref<16384x26xi32, #tpu.memory_space<hbm>> -> memref<64x26xi32, #tpu.memory_space<hbm>>
      tpu.enqueue_dma source(%dma_start3A_684 : memref<64x26xi32, #tpu.memory_space<hbm>>) target(%arg5 : memref<64x26xi32, #tpu.memory_space<vmem>>) target_semaphore(%run_scoped3A : memref<!tpu.dma_semaphore, #tpu.memory_space<semaphore_mem>>)
      %dma_wait3A_685 = arith.constant 0 : i32
      %dma_wait3A_686 = tpu.memref_slice %arg2[%add3A_12, %dma_wait3A_685] : memref<16384x26xi32, #tpu.memory_space<hbm>> -> memref<64x26xi32, #tpu.memory_space<hbm>>
      %dma_wait3A_687 = arith.constant 0 : i32
      %dma_wait3A_688 = tpu.memref_slice %arg2[%add3A_12, %dma_wait3A_687] : memref<16384x26xi32, #tpu.memory_space<hbm>> -> memref<64x26xi32, #tpu.memory_space<hbm>>
      tpu.wait_dma2 semaphore(%run_scoped3A : memref<!tpu.dma_semaphore, #tpu.memory_space<semaphore_mem>>) src(%dma_wait3A_688 : memref<64x26xi32, #tpu.memory_space<hbm>>) dst(%arg5 : memref<64x26xi32, #tpu.memory_space<vmem>>)
      tpu.yield
    }) : () -> ()
    %scan3A_13 = arith.constant 0 : i32
    %scan3A_14 = arith.constant 0 : i32
    %scan3A_15 = arith.constant 104 : i32
    %scan3A_16 = arith.addi %scan3A_14, %scan3A_15 : i32
    %scan3A_17 = arith.constant 1 : i32
    scf.for %scan3A_681 = %scan3A_14 to %scan3A_16 step %scan3A_17  : i32 {
      %mul3A_682 = arith.constant 16 : i32
      %mul3A_683 = arith.muli %scan3A_681, %mul3A_682 : i32
      %get3A = arith.index_cast %mul3A_683 : i32 to index
      %get3A_684 = tpu.vector_load %arg6[%get3A] {strides = array<i32>} : memref<1664xi32, #tpu.memory_space<vmem>>, vector<16xi32>,
      %get3A_685 = arith.index_cast %mul3A_683 : i32 to index
      %get3A_686 = tpu.vector_load %arg7[%get3A_685] {strides = array<i32>} : memref<1664xi32, #tpu.memory_space<vmem>>, vector<16xi32>,
      %gather3A = tpu.vector_load_idx %arg5[%get3A_684, %get3A_686] : memref<64x26xi32, #tpu.memory_space<vmem>>[vector<16xi32>, vector<16xi32>], vector<16xi32>,
      %get3A_687 = arith.index_cast %mul3A_683 : i32 to index
      %get3A_688 = tpu.vector_load %arg8[%get3A_687] {strides = array<i32>} : memref<1664xi32, #tpu.memory_space<vmem>>, vector<16xi32>,
      %add3A_689 = arith.addi %gather3A, %get3A_688 : vector<16xi32>
      %swap3A = arith.index_cast %mul3A_683 : i32 to index
      %swap3A_690 = tpu.vector_load %arg9[%swap3A] {strides = array<i32>} : memref<1664xi32, #tpu.memory_space<vmem>>, vector<16xi32>,
      tpu.vector_store %arg9[%swap3A], %add3A_689 {strides = array<i32>} : memref<1664xi32, #tpu.memory_space<vmem>>, vector<16xi32>,
    }
    %scan3A_18 = arith.constant 104 : i32
    %dma_start3A = arith.constant 0 : i32
    %dma_start3A_19 = arith.constant 0 : i32
    %dma_start3A_20 = tpu.memref_slice %arg11[%dma_start3A, %dma_start3A_19] : memref<1664x32xf32, #tpu.memory_space<vmem>> -> memref<416x32xf32, #tpu.memory_space<vmem>>
    %dma_start3A_21 = arith.constant 0 : i32
    %dma_start3A_22 = tpu.memref_slice %arg9[%dma_start3A_21] : memref<1664xi32, #tpu.memory_space<vmem>> -> memref<416xi32, #tpu.memory_space<vmem>>
    %dma_start3A_23 = arith.constant 0 : i32
    %dma_start3A_24 = arith.constant 0 : i32
    %dma_start3A_25 = tpu.memref_slice %arg3[%dma_start3A_23, %dma_start3A_24] : memref<2600000x32xf32, #tpu.memory_space<hbm>> -> memref<2600000x32xf32, #tpu.memory_space<hbm>>
    tpu.enqueue_indirect_dma source(%dma_start3A_25 : memref<2600000x32xf32, #tpu.memory_space<hbm>>) target(%dma_start3A_20 : memref<416x32xf32, #tpu.memory_space<vmem>>) offsets(%dma_start3A_22 : memref<416xi32, #tpu.memory_space<vmem>>) semaphore(%arg13 : memref<!tpu.dma_semaphore, #tpu.memory_space<semaphore_mem>>)
    %dma_start3A_26 = arith.constant 416 : i32
    %dma_start3A_27 = arith.constant 0 : i32
    %dma_start3A_28 = tpu.memref_slice %arg11[%dma_start3A_26, %dma_start3A_27] : memref<1664x32xf32, #tpu.memory_space<vmem>> -> memref<416x32xf32, #tpu.memory_space<vmem>>
    %dma_start3A_29 = arith.constant 416 : i32
    %dma_start3A_30 = tpu.memref_slice %arg9[%dma_start3A_29] : memref<1664xi32, #tpu.memory_space<vmem>> -> memref<416xi32, #tpu.memory_space<vmem>>
    %dma_start3A_31 = arith.constant 0 : i32
    %dma_start3A_32 = arith.constant 0 : i32
    %dma_start3A_33 = tpu.memref_slice %arg3[%dma_start3A_31, %dma_start3A_32] : memref<2600000x32xf32, #tpu.memory_space<hbm>> -> memref<2600000x32xf32, #tpu.memory_space<hbm>>
    tpu.enqueue_indirect_dma source(%dma_start3A_33 : memref<2600000x32xf32, #tpu.memory_space<hbm>>) target(%dma_start3A_28 : memref<416x32xf32, #tpu.memory_space<vmem>>) offsets(%dma_start3A_30 : memref<416xi32, #tpu.memory_space<vmem>>) semaphore(%arg14 : memref<!tpu.dma_semaphore, #tpu.memory_space<semaphore_mem>>)
    %dma_start3A_34 = arith.constant 832 : i32
    %dma_start3A_35 = arith.constant 0 : i32
    %dma_start3A_36 = tpu.memref_slice %arg11[%dma_start3A_34, %dma_start3A_35] : memref<1664x32xf32, #tpu.memory_space<vmem>> -> memref<416x32xf32, #tpu.memory_space<vmem>>
    %dma_start3A_37 = arith.constant 832 : i32
    %dma_start3A_38 = tpu.memref_slice %arg9[%dma_start3A_37] : memref<1664xi32, #tpu.memory_space<vmem>> -> memref<416xi32, #tpu.memory_space<vmem>>
    %dma_start3A_39 = arith.constant 0 : i32
    %dma_start3A_40 = arith.constant 0 : i32
    %dma_start3A_41 = tpu.memref_slice %arg3[%dma_start3A_39, %dma_start3A_40] : memref<2600000x32xf32, #tpu.memory_space<hbm>> -> memref<2600000x32xf32, #tpu.memory_space<hbm>>
    tpu.enqueue_indirect_dma source(%dma_start3A_41 : memref<2600000x32xf32, #tpu.memory_space<hbm>>) target(%dma_start3A_36 : memref<416x32xf32, #tpu.memory_space<vmem>>) offsets(%dma_start3A_38 : memref<416xi32, #tpu.memory_space<vmem>>) semaphore(%arg15 : memref<!tpu.dma_semaphore, #tpu.memory_space<semaphore_mem>>)
    %dma_start3A_42 = arith.constant 1248 : i32
    %dma_start3A_43 = arith.constant 0 : i32
    %dma_start3A_44 = tpu.memref_slice %arg11[%dma_start3A_42, %dma_start3A_43] : memref<1664x32xf32, #tpu.memory_space<vmem>> -> memref<416x32xf32, #tpu.memory_space<vmem>>
    %dma_start3A_45 = arith.constant 1248 : i32
    %dma_start3A_46 = tpu.memref_slice %arg9[%dma_start3A_45] : memref<1664xi32, #tpu.memory_space<vmem>> -> memref<416xi32, #tpu.memory_space<vmem>>
    %dma_start3A_47 = arith.constant 0 : i32
    %dma_start3A_48 = arith.constant 0 : i32
    %dma_start3A_49 = tpu.memref_slice %arg3[%dma_start3A_47, %dma_start3A_48] : memref<2600000x32xf32, #tpu.memory_space<hbm>> -> memref<2600000x32xf32, #tpu.memory_space<hbm>>
    tpu.enqueue_indirect_dma source(%dma_start3A_49 : memref<2600000x32xf32, #tpu.memory_space<hbm>>) target(%dma_start3A_44 : memref<416x32xf32, #tpu.memory_space<vmem>>) offsets(%dma_start3A_46 : memref<416xi32, #tpu.memory_space<vmem>>) semaphore(%arg16 : memref<!tpu.dma_semaphore, #tpu.memory_space<semaphore_mem>>)
    %add3A_50 = arith.constant 64 : i32
    %add3A_51 = arith.addi %mul3A_2, %add3A_50 : i32
    "tpu.region"() ({
      %run_scoped3A = tpu.sem_alloc : memref<!tpu.dma_semaphore, #tpu.memory_space<semaphore_mem>>
      %dma_start3A_681 = arith.constant 0 : i32
      %dma_start3A_682 = tpu.memref_slice %arg2[%add3A_51, %dma_start3A_681] : memref<16384x26xi32, #tpu.memory_space<hbm>> -> memref<64x26xi32, #tpu.memory_space<hbm>>
      %dma_start3A_683 = arith.constant 0 : i32
      %dma_start3A_684 = tpu.memref_slice %arg2[%add3A_51, %dma_start3A_683] : memref<16384x26xi32, #tpu.memory_space<hbm>> -> memref<64x26xi32, #tpu.memory_space<hbm>>
      tpu.enqueue_dma source(%dma_start3A_684 : memref<64x26xi32, #tpu.memory_space<hbm>>) target(%arg5 : memref<64x26xi32, #tpu.memory_space<vmem>>) target_semaphore(%run_scoped3A : memref<!tpu.dma_semaphore, #tpu.memory_space<semaphore_mem>>)
      %dma_wait3A_685 = arith.constant 0 : i32
      %dma_wait3A_686 = tpu.memref_slice %arg2[%add3A_51, %dma_wait3A_685] : memref<16384x26xi32, #tpu.memory_space<hbm>> -> memref<64x26xi32, #tpu.memory_space<hbm>>
      %dma_wait3A_687 = arith.constant 0 : i32
      %dma_wait3A_688 = tpu.memref_slice %arg2[%add3A_51, %dma_wait3A_687] : memref<16384x26xi32, #tpu.memory_space<hbm>> -> memref<64x26xi32, #tpu.memory_space<hbm>>
      tpu.wait_dma2 semaphore(%run_scoped3A : memref<!tpu.dma_semaphore, #tpu.memory_space<semaphore_mem>>) src(%dma_wait3A_688 : memref<64x26xi32, #tpu.memory_space<hbm>>) dst(%arg5 : memref<64x26xi32, #tpu.memory_space<vmem>>)
      tpu.yield
    }) : () -> ()
    %scan3A_52 = arith.constant 0 : i32
    %scan3A_53 = arith.constant 0 : i32
    %scan3A_54 = arith.constant 104 : i32
    %scan3A_55 = arith.addi %scan3A_53, %scan3A_54 : i32
    %scan3A_56 = arith.constant 1 : i32
    scf.for %scan3A_681 = %scan3A_53 to %scan3A_55 step %scan3A_56  : i32 {
      %mul3A_682 = arith.constant 16 : i32
      %mul3A_683 = arith.muli %scan3A_681, %mul3A_682 : i32
      %get3A = arith.index_cast %mul3A_683 : i32 to index
      %get3A_684 = tpu.vector_load %arg6[%get3A] {strides = array<i32>} : memref<1664xi32, #tpu.memory_space<vmem>>, vector<16xi32>,
      %get3A_685 = arith.index_cast %mul3A_683 : i32 to index
      %get3A_686 = tpu.vector_load %arg7[%get3A_685] {strides = array<i32>} : memref<1664xi32, #tpu.memory_space<vmem>>, vector<16xi32>,
      %gather3A = tpu.vector_load_idx %arg5[%get3A_684, %get3A_686] : memref<64x26xi32, #tpu.memory_space<vmem>>[vector<16xi32>, vector<16xi32>], vector<16xi32>,
      %get3A_687 = arith.index_cast %mul3A_683 : i32 to index
      %get3A_688 = tpu.vector_load %arg8[%get3A_687] {strides = array<i32>} : memref<1664xi32, #tpu.memory_space<vmem>>, vector<16xi32>,
      %add3A_689 = arith.addi %gather3A, %get3A_688 : vector<16xi32>
      %swap3A = arith.index_cast %mul3A_683 : i32 to index
      %swap3A_690 = tpu.vector_load %arg10[%swap3A] {strides = array<i32>} : memref<1664xi32, #tpu.memory_space<vmem>>, vector<16xi32>,
      tpu.vector_store %arg10[%swap3A], %add3A_689 {strides = array<i32>} : memref<1664xi32, #tpu.memory_space<vmem>>, vector<16xi32>,
    }
    %scan3A_57 = arith.constant 104 : i32
    %dma_start3A_58 = arith.constant 0 : i32
    %dma_start3A_59 = arith.constant 0 : i32
    %dma_start3A_60 = tpu.memref_slice %arg12[%dma_start3A_58, %dma_start3A_59] : memref<1664x32xf32, #tpu.memory_space<vmem>> -> memref<416x32xf32, #tpu.memory_space<vmem>>
    %dma_start3A_61 = arith.constant 0 : i32
    %dma_start3A_62 = tpu.memref_slice %arg10[%dma_start3A_61] : memref<1664xi32, #tpu.memory_space<vmem>> -> memref<416xi32, #tpu.memory_space<vmem>>
    %dma_start3A_63 = arith.constant 0 : i32
    %dma_start3A_64 = arith.constant 0 : i32
    %dma_start3A_65 = tpu.memref_slice %arg3[%dma_start3A_63, %dma_start3A_64] : memref<2600000x32xf32, #tpu.memory_space<hbm>> -> memref<2600000x32xf32, #tpu.memory_space<hbm>>
    tpu.enqueue_indirect_dma source(%dma_start3A_65 : memref<2600000x32xf32, #tpu.memory_space<hbm>>) target(%dma_start3A_60 : memref<416x32xf32, #tpu.memory_space<vmem>>) offsets(%dma_start3A_62 : memref<416xi32, #tpu.memory_space<vmem>>) semaphore(%arg17 : memref<!tpu.dma_semaphore, #tpu.memory_space<semaphore_mem>>)
    %dma_start3A_66 = arith.constant 416 : i32
    %dma_start3A_67 = arith.constant 0 : i32
    %dma_start3A_68 = tpu.memref_slice %arg12[%dma_start3A_66, %dma_start3A_67] : memref<1664x32xf32, #tpu.memory_space<vmem>> -> memref<416x32xf32, #tpu.memory_space<vmem>>
    %dma_start3A_69 = arith.constant 416 : i32
    %dma_start3A_70 = tpu.memref_slice %arg10[%dma_start3A_69] : memref<1664xi32, #tpu.memory_space<vmem>> -> memref<416xi32, #tpu.memory_space<vmem>>
    %dma_start3A_71 = arith.constant 0 : i32
    %dma_start3A_72 = arith.constant 0 : i32
    %dma_start3A_73 = tpu.memref_slice %arg3[%dma_start3A_71, %dma_start3A_72] : memref<2600000x32xf32, #tpu.memory_space<hbm>> -> memref<2600000x32xf32, #tpu.memory_space<hbm>>
    tpu.enqueue_indirect_dma source(%dma_start3A_73 : memref<2600000x32xf32, #tpu.memory_space<hbm>>) target(%dma_start3A_68 : memref<416x32xf32, #tpu.memory_space<vmem>>) offsets(%dma_start3A_70 : memref<416xi32, #tpu.memory_space<vmem>>) semaphore(%arg18 : memref<!tpu.dma_semaphore, #tpu.memory_space<semaphore_mem>>)
    %dma_start3A_74 = arith.constant 832 : i32
    %dma_start3A_75 = arith.constant 0 : i32
    %dma_start3A_76 = tpu.memref_slice %arg12[%dma_start3A_74, %dma_start3A_75] : memref<1664x32xf32, #tpu.memory_space<vmem>> -> memref<416x32xf32, #tpu.memory_space<vmem>>
    %dma_start3A_77 = arith.constant 832 : i32
    %dma_start3A_78 = tpu.memref_slice %arg10[%dma_start3A_77] : memref<1664xi32, #tpu.memory_space<vmem>> -> memref<416xi32, #tpu.memory_space<vmem>>
    %dma_start3A_79 = arith.constant 0 : i32
    %dma_start3A_80 = arith.constant 0 : i32
    %dma_start3A_81 = tpu.memref_slice %arg3[%dma_start3A_79, %dma_start3A_80] : memref<2600000x32xf32, #tpu.memory_space<hbm>> -> memref<2600000x32xf32, #tpu.memory_space<hbm>>
    tpu.enqueue_indirect_dma source(%dma_start3A_81 : memref<2600000x32xf32, #tpu.memory_space<hbm>>) target(%dma_start3A_76 : memref<416x32xf32, #tpu.memory_space<vmem>>) offsets(%dma_start3A_78 : memref<416xi32, #tpu.memory_space<vmem>>) semaphore(%arg19 : memref<!tpu.dma_semaphore, #tpu.memory_space<semaphore_mem>>)
    %dma_start3A_82 = arith.constant 1248 : i32
    %dma_start3A_83 = arith.constant 0 : i32
    %dma_start3A_84 = tpu.memref_slice %arg12[%dma_start3A_82, %dma_start3A_83] : memref<1664x32xf32, #tpu.memory_space<vmem>> -> memref<416x32xf32, #tpu.memory_space<vmem>>
    %dma_start3A_85 = arith.constant 1248 : i32
    %dma_start3A_86 = tpu.memref_slice %arg10[%dma_start3A_85] : memref<1664xi32, #tpu.memory_space<vmem>> -> memref<416xi32, #tpu.memory_space<vmem>>
    %dma_start3A_87 = arith.constant 0 : i32
    %dma_start3A_88 = arith.constant 0 : i32
    %dma_start3A_89 = tpu.memref_slice %arg3[%dma_start3A_87, %dma_start3A_88] : memref<2600000x32xf32, #tpu.memory_space<hbm>> -> memref<2600000x32xf32, #tpu.memory_space<hbm>>
    tpu.enqueue_indirect_dma source(%dma_start3A_89 : memref<2600000x32xf32, #tpu.memory_space<hbm>>) target(%dma_start3A_84 : memref<416x32xf32, #tpu.memory_space<vmem>>) offsets(%dma_start3A_86 : memref<416xi32, #tpu.memory_space<vmem>>) semaphore(%arg20 : memref<!tpu.dma_semaphore, #tpu.memory_space<semaphore_mem>>)
    %dma_wait3A = arith.constant 0 : i32
    %dma_wait3A_90 = arith.constant 0 : i32
    %dma_wait3A_91 = tpu.memref_slice %arg11[%dma_wait3A, %dma_wait3A_90] : memref<1664x32xf32, #tpu.memory_space<vmem>> -> memref<416x32xf32, #tpu.memory_space<vmem>>
    %dma_wait3A_92 = arith.constant 0 : i32
    %dma_wait3A_93 = tpu.memref_slice %arg9[%dma_wait3A_92] : memref<1664xi32, #tpu.memory_space<vmem>> -> memref<416xi32, #tpu.memory_space<vmem>>
    %dma_wait3A_94 = arith.constant 0 : i32
    %dma_wait3A_95 = arith.constant 0 : i32
    %dma_wait3A_96 = tpu.memref_slice %arg3[%dma_wait3A_94, %dma_wait3A_95] : memref<2600000x32xf32, #tpu.memory_space<hbm>> -> memref<2600000x32xf32, #tpu.memory_space<hbm>>
    tpu.wait_indirect_dma semaphore(%arg13 : memref<!tpu.dma_semaphore, #tpu.memory_space<semaphore_mem>>) src(%dma_wait3A_96 : memref<2600000x32xf32, #tpu.memory_space<hbm>>) dst(%dma_wait3A_91 : memref<416x32xf32, #tpu.memory_space<vmem>>)
    %dma_wait3A_97 = arith.constant 416 : i32
    %dma_wait3A_98 = arith.constant 0 : i32
    %dma_wait3A_99 = tpu.memref_slice %arg11[%dma_wait3A_97, %dma_wait3A_98] : memref<1664x32xf32, #tpu.memory_space<vmem>> -> memref<416x32xf32, #tpu.memory_space<vmem>>
    %dma_wait3A_100 = arith.constant 416 : i32
    %dma_wait3A_101 = tpu.memref_slice %arg9[%dma_wait3A_100] : memref<1664xi32, #tpu.memory_space<vmem>> -> memref<416xi32, #tpu.memory_space<vmem>>
    %dma_wait3A_102 = arith.constant 0 : i32
    %dma_wait3A_103 = arith.constant 0 : i32
    %dma_wait3A_104 = tpu.memref_slice %arg3[%dma_wait3A_102, %dma_wait3A_103] : memref<2600000x32xf32, #tpu.memory_space<hbm>> -> memref<2600000x32xf32, #tpu.memory_space<hbm>>
    tpu.wait_indirect_dma semaphore(%arg14 : memref<!tpu.dma_semaphore, #tpu.memory_space<semaphore_mem>>) src(%dma_wait3A_104 : memref<2600000x32xf32, #tpu.memory_space<hbm>>) dst(%dma_wait3A_99 : memref<416x32xf32, #tpu.memory_space<vmem>>)
    %dma_wait3A_105 = arith.constant 832 : i32
    %dma_wait3A_106 = arith.constant 0 : i32
    %dma_wait3A_107 = tpu.memref_slice %arg11[%dma_wait3A_105, %dma_wait3A_106] : memref<1664x32xf32, #tpu.memory_space<vmem>> -> memref<416x32xf32, #tpu.memory_space<vmem>>
    %dma_wait3A_108 = arith.constant 832 : i32
    %dma_wait3A_109 = tpu.memref_slice %arg9[%dma_wait3A_108] : memref<1664xi32, #tpu.memory_space<vmem>> -> memref<416xi32, #tpu.memory_space<vmem>>
    %dma_wait3A_110 = arith.constant 0 : i32
    %dma_wait3A_111 = arith.constant 0 : i32
    %dma_wait3A_112 = tpu.memref_slice %arg3[%dma_wait3A_110, %dma_wait3A_111] : memref<2600000x32xf32, #tpu.memory_space<hbm>> -> memref<2600000x32xf32, #tpu.memory_space<hbm>>
    tpu.wait_indirect_dma semaphore(%arg15 : memref<!tpu.dma_semaphore, #tpu.memory_space<semaphore_mem>>) src(%dma_wait3A_112 : memref<2600000x32xf32, #tpu.memory_space<hbm>>) dst(%dma_wait3A_107 : memref<416x32xf32, #tpu.memory_space<vmem>>)
    %dma_wait3A_113 = arith.constant 1248 : i32
    %dma_wait3A_114 = arith.constant 0 : i32
    %dma_wait3A_115 = tpu.memref_slice %arg11[%dma_wait3A_113, %dma_wait3A_114] : memref<1664x32xf32, #tpu.memory_space<vmem>> -> memref<416x32xf32, #tpu.memory_space<vmem>>
    %dma_wait3A_116 = arith.constant 1248 : i32
    %dma_wait3A_117 = tpu.memref_slice %arg9[%dma_wait3A_116] : memref<1664xi32, #tpu.memory_space<vmem>> -> memref<416xi32, #tpu.memory_space<vmem>>
    %dma_wait3A_118 = arith.constant 0 : i32
    %dma_wait3A_119 = arith.constant 0 : i32
    %dma_wait3A_120 = tpu.memref_slice %arg3[%dma_wait3A_118, %dma_wait3A_119] : memref<2600000x32xf32, #tpu.memory_space<hbm>> -> memref<2600000x32xf32, #tpu.memory_space<hbm>>
    tpu.wait_indirect_dma semaphore(%arg16 : memref<!tpu.dma_semaphore, #tpu.memory_space<semaphore_mem>>) src(%dma_wait3A_120 : memref<2600000x32xf32, #tpu.memory_space<hbm>>) dst(%dma_wait3A_115 : memref<416x32xf32, #tpu.memory_space<vmem>>)
    %add3A_121 = arith.constant 0 : i32
    %add3A_122 = arith.addi %mul3A_2, %add3A_121 : i32
    %mul3A_123 = arith.constant 26 : i32
    %mul3A_124 = arith.muli %add3A_122, %mul3A_123 : i32
    %dma_start3A_125 = arith.constant 0 : i32
    %dma_start3A_126 = tpu.memref_slice %arg4[%mul3A_124, %dma_start3A_125] : memref<425984x32xf32, #tpu.memory_space<hbm>> -> memref<1664x32xf32, #tpu.memory_space<hbm>>
    %dma_start3A_127 = arith.constant 0 : i32
    %dma_start3A_128 = tpu.memref_slice %arg4[%mul3A_124, %dma_start3A_127] : memref<425984x32xf32, #tpu.memory_space<hbm>> -> memref<1664x32xf32, #tpu.memory_space<hbm>>
    tpu.enqueue_dma source(%arg11 : memref<1664x32xf32, #tpu.memory_space<vmem>>) target(%dma_start3A_128 : memref<1664x32xf32, #tpu.memory_space<hbm>>) target_semaphore(%arg21 : memref<!tpu.dma_semaphore, #tpu.memory_space<semaphore_mem>>)
    %dma_wait3A_129 = arith.constant 0 : i32
    %dma_wait3A_130 = tpu.memref_slice %arg4[%mul3A_124, %dma_wait3A_129] : memref<425984x32xf32, #tpu.memory_space<hbm>> -> memref<1664x32xf32, #tpu.memory_space<hbm>>
    %dma_wait3A_131 = arith.constant 0 : i32
    %dma_wait3A_132 = tpu.memref_slice %arg4[%mul3A_124, %dma_wait3A_131] : memref<425984x32xf32, #tpu.memory_space<hbm>> -> memref<1664x32xf32, #tpu.memory_space<hbm>>
    tpu.wait_dma2 semaphore(%arg21 : memref<!tpu.dma_semaphore, #tpu.memory_space<semaphore_mem>>) src(%arg11 : memref<1664x32xf32, #tpu.memory_space<vmem>>) dst(%dma_wait3A_132 : memref<1664x32xf32, #tpu.memory_space<hbm>>)
    %add3A_133 = arith.constant 128 : i32
    %add3A_134 = arith.addi %mul3A_2, %add3A_133 : i32
    "tpu.region"() ({
      %run_scoped3A = tpu.sem_alloc : memref<!tpu.dma_semaphore, #tpu.memory_space<semaphore_mem>>
      %dma_start3A_681 = arith.constant 0 : i32
      %dma_start3A_682 = tpu.memref_slice %arg2[%add3A_134, %dma_start3A_681] : memref<16384x26xi32, #tpu.memory_space<hbm>> -> memref<64x26xi32, #tpu.memory_space<hbm>>
      %dma_start3A_683 = arith.constant 0 : i32
      %dma_start3A_684 = tpu.memref_slice %arg2[%add3A_134, %dma_start3A_683] : memref<16384x26xi32, #tpu.memory_space<hbm>> -> memref<64x26xi32, #tpu.memory_space<hbm>>
      tpu.enqueue_dma source(%dma_start3A_684 : memref<64x26xi32, #tpu.memory_space<hbm>>) target(%arg5 : memref<64x26xi32, #tpu.memory_space<vmem>>) target_semaphore(%run_scoped3A : memref<!tpu.dma_semaphore, #tpu.memory_space<semaphore_mem>>)
      %dma_wait3A_685 = arith.constant 0 : i32
      %dma_wait3A_686 = tpu.memref_slice %arg2[%add3A_134, %dma_wait3A_685] : memref<16384x26xi32, #tpu.memory_space<hbm>> -> memref<64x26xi32, #tpu.memory_space<hbm>>
      %dma_wait3A_687 = arith.constant 0 : i32
      %dma_wait3A_688 = tpu.memref_slice %arg2[%add3A_134, %dma_wait3A_687] : memref<16384x26xi32, #tpu.memory_space<hbm>> -> memref<64x26xi32, #tpu.memory_space<hbm>>
      tpu.wait_dma2 semaphore(%run_scoped3A : memref<!tpu.dma_semaphore, #tpu.memory_space<semaphore_mem>>) src(%dma_wait3A_688 : memref<64x26xi32, #tpu.memory_space<hbm>>) dst(%arg5 : memref<64x26xi32, #tpu.memory_space<vmem>>)
      tpu.yield
    }) : () -> ()
    %scan3A_135 = arith.constant 0 : i32
    %scan3A_136 = arith.constant 0 : i32
    %scan3A_137 = arith.constant 104 : i32
    %scan3A_138 = arith.addi %scan3A_136, %scan3A_137 : i32
    %scan3A_139 = arith.constant 1 : i32
    scf.for %scan3A_681 = %scan3A_136 to %scan3A_138 step %scan3A_139  : i32 {
      %mul3A_682 = arith.constant 16 : i32
      %mul3A_683 = arith.muli %scan3A_681, %mul3A_682 : i32
      %get3A = arith.index_cast %mul3A_683 : i32 to index
      %get3A_684 = tpu.vector_load %arg6[%get3A] {strides = array<i32>} : memref<1664xi32, #tpu.memory_space<vmem>>, vector<16xi32>,
      %get3A_685 = arith.index_cast %mul3A_683 : i32 to index
      %get3A_686 = tpu.vector_load %arg7[%get3A_685] {strides = array<i32>} : memref<1664xi32, #tpu.memory_space<vmem>>, vector<16xi32>,
      %gather3A = tpu.vector_load_idx %arg5[%get3A_684, %get3A_686] : memref<64x26xi32, #tpu.memory_space<vmem>>[vector<16xi32>, vector<16xi32>], vector<16xi32>,
      %get3A_687 = arith.index_cast %mul3A_683 : i32 to index
      %get3A_688 = tpu.vector_load %arg8[%get3A_687] {strides = array<i32>} : memref<1664xi32, #tpu.memory_space<vmem>>, vector<16xi32>,
      %add3A_689 = arith.addi %gather3A, %get3A_688 : vector<16xi32>
      %swap3A = arith.index_cast %mul3A_683 : i32 to index
      %swap3A_690 = tpu.vector_load %arg9[%swap3A] {strides = array<i32>} : memref<1664xi32, #tpu.memory_space<vmem>>, vector<16xi32>,
      tpu.vector_store %arg9[%swap3A], %add3A_689 {strides = array<i32>} : memref<1664xi32, #tpu.memory_space<vmem>>, vector<16xi32>,
    }
    %scan3A_140 = arith.constant 104 : i32
    %dma_start3A_141 = arith.constant 0 : i32
    %dma_start3A_142 = arith.constant 0 : i32
    %dma_start3A_143 = tpu.memref_slice %arg11[%dma_start3A_141, %dma_start3A_142] : memref<1664x32xf32, #tpu.memory_space<vmem>> -> memref<416x32xf32, #tpu.memory_space<vmem>>
    %dma_start3A_144 = arith.constant 0 : i32
    %dma_start3A_145 = tpu.memref_slice %arg9[%dma_start3A_144] : memref<1664xi32, #tpu.memory_space<vmem>> -> memref<416xi32, #tpu.memory_space<vmem>>
    %dma_start3A_146 = arith.constant 0 : i32
    %dma_start3A_147 = arith.constant 0 : i32
    %dma_start3A_148 = tpu.memref_slice %arg3[%dma_start3A_146, %dma_start3A_147] : memref<2600000x32xf32, #tpu.memory_space<hbm>> -> memref<2600000x32xf32, #tpu.memory_space<hbm>>
    tpu.enqueue_indirect_dma source(%dma_start3A_148 : memref<2600000x32xf32, #tpu.memory_space<hbm>>) target(%dma_start3A_143 : memref<416x32xf32, #tpu.memory_space<vmem>>) offsets(%dma_start3A_145 : memref<416xi32, #tpu.memory_space<vmem>>) semaphore(%arg13 : memref<!tpu.dma_semaphore, #tpu.memory_space<semaphore_mem>>)
    %dma_start3A_149 = arith.constant 416 : i32
    %dma_start3A_150 = arith.constant 0 : i32
    %dma_start3A_151 = tpu.memref_slice %arg11[%dma_start3A_149, %dma_start3A_150] : memref<1664x32xf32, #tpu.memory_space<vmem>> -> memref<416x32xf32, #tpu.memory_space<vmem>>
    %dma_start3A_152 = arith.constant 416 : i32
    %dma_start3A_153 = tpu.memref_slice %arg9[%dma_start3A_152] : memref<1664xi32, #tpu.memory_space<vmem>> -> memref<416xi32, #tpu.memory_space<vmem>>
    %dma_start3A_154 = arith.constant 0 : i32
    %dma_start3A_155 = arith.constant 0 : i32
    %dma_start3A_156 = tpu.memref_slice %arg3[%dma_start3A_154, %dma_start3A_155] : memref<2600000x32xf32, #tpu.memory_space<hbm>> -> memref<2600000x32xf32, #tpu.memory_space<hbm>>
    tpu.enqueue_indirect_dma source(%dma_start3A_156 : memref<2600000x32xf32, #tpu.memory_space<hbm>>) target(%dma_start3A_151 : memref<416x32xf32, #tpu.memory_space<vmem>>) offsets(%dma_start3A_153 : memref<416xi32, #tpu.memory_space<vmem>>) semaphore(%arg14 : memref<!tpu.dma_semaphore, #tpu.memory_space<semaphore_mem>>)
    %dma_start3A_157 = arith.constant 832 : i32
    %dma_start3A_158 = arith.constant 0 : i32
    %dma_start3A_159 = tpu.memref_slice %arg11[%dma_start3A_157, %dma_start3A_158] : memref<1664x32xf32, #tpu.memory_space<vmem>> -> memref<416x32xf32, #tpu.memory_space<vmem>>
    %dma_start3A_160 = arith.constant 832 : i32
    %dma_start3A_161 = tpu.memref_slice %arg9[%dma_start3A_160] : memref<1664xi32, #tpu.memory_space<vmem>> -> memref<416xi32, #tpu.memory_space<vmem>>
    %dma_start3A_162 = arith.constant 0 : i32
    %dma_start3A_163 = arith.constant 0 : i32
    %dma_start3A_164 = tpu.memref_slice %arg3[%dma_start3A_162, %dma_start3A_163] : memref<2600000x32xf32, #tpu.memory_space<hbm>> -> memref<2600000x32xf32, #tpu.memory_space<hbm>>
    tpu.enqueue_indirect_dma source(%dma_start3A_164 : memref<2600000x32xf32, #tpu.memory_space<hbm>>) target(%dma_start3A_159 : memref<416x32xf32, #tpu.memory_space<vmem>>) offsets(%dma_start3A_161 : memref<416xi32, #tpu.memory_space<vmem>>) semaphore(%arg15 : memref<!tpu.dma_semaphore, #tpu.memory_space<semaphore_mem>>)
    %dma_start3A_165 = arith.constant 1248 : i32
    %dma_start3A_166 = arith.constant 0 : i32
    %dma_start3A_167 = tpu.memref_slice %arg11[%dma_start3A_165, %dma_start3A_166] : memref<1664x32xf32, #tpu.memory_space<vmem>> -> memref<416x32xf32, #tpu.memory_space<vmem>>
    %dma_start3A_168 = arith.constant 1248 : i32
    %dma_start3A_169 = tpu.memref_slice %arg9[%dma_start3A_168] : memref<1664xi32, #tpu.memory_space<vmem>> -> memref<416xi32, #tpu.memory_space<vmem>>
    %dma_start3A_170 = arith.constant 0 : i32
    %dma_start3A_171 = arith.constant 0 : i32
    %dma_start3A_172 = tpu.memref_slice %arg3[%dma_start3A_170, %dma_start3A_171] : memref<2600000x32xf32, #tpu.memory_space<hbm>> -> memref<2600000x32xf32, #tpu.memory_space<hbm>>
    tpu.enqueue_indirect_dma source(%dma_start3A_172 : memref<2600000x32xf32, #tpu.memory_space<hbm>>) target(%dma_start3A_167 : memref<416x32xf32, #tpu.memory_space<vmem>>) offsets(%dma_start3A_169 : memref<416xi32, #tpu.memory_space<vmem>>) semaphore(%arg16 : memref<!tpu.dma_semaphore, #tpu.memory_space<semaphore_mem>>)
    %dma_wait3A_173 = arith.constant 0 : i32
    %dma_wait3A_174 = arith.constant 0 : i32
    %dma_wait3A_175 = tpu.memref_slice %arg12[%dma_wait3A_173, %dma_wait3A_174] : memref<1664x32xf32, #tpu.memory_space<vmem>> -> memref<416x32xf32, #tpu.memory_space<vmem>>
    %dma_wait3A_176 = arith.constant 0 : i32
    %dma_wait3A_177 = tpu.memref_slice %arg10[%dma_wait3A_176] : memref<1664xi32, #tpu.memory_space<vmem>> -> memref<416xi32, #tpu.memory_space<vmem>>
    %dma_wait3A_178 = arith.constant 0 : i32
    %dma_wait3A_179 = arith.constant 0 : i32
    %dma_wait3A_180 = tpu.memref_slice %arg3[%dma_wait3A_178, %dma_wait3A_179] : memref<2600000x32xf32, #tpu.memory_space<hbm>> -> memref<2600000x32xf32, #tpu.memory_space<hbm>>
    tpu.wait_indirect_dma semaphore(%arg17 : memref<!tpu.dma_semaphore, #tpu.memory_space<semaphore_mem>>) src(%dma_wait3A_180 : memref<2600000x32xf32, #tpu.memory_space<hbm>>) dst(%dma_wait3A_175 : memref<416x32xf32, #tpu.memory_space<vmem>>)
    %dma_wait3A_181 = arith.constant 416 : i32
    %dma_wait3A_182 = arith.constant 0 : i32
    %dma_wait3A_183 = tpu.memref_slice %arg12[%dma_wait3A_181, %dma_wait3A_182] : memref<1664x32xf32, #tpu.memory_space<vmem>> -> memref<416x32xf32, #tpu.memory_space<vmem>>
    %dma_wait3A_184 = arith.constant 416 : i32
    %dma_wait3A_185 = tpu.memref_slice %arg10[%dma_wait3A_184] : memref<1664xi32, #tpu.memory_space<vmem>> -> memref<416xi32, #tpu.memory_space<vmem>>
    %dma_wait3A_186 = arith.constant 0 : i32
    %dma_wait3A_187 = arith.constant 0 : i32
    %dma_wait3A_188 = tpu.memref_slice %arg3[%dma_wait3A_186, %dma_wait3A_187] : memref<2600000x32xf32, #tpu.memory_space<hbm>> -> memref<2600000x32xf32, #tpu.memory_space<hbm>>
    tpu.wait_indirect_dma semaphore(%arg18 : memref<!tpu.dma_semaphore, #tpu.memory_space<semaphore_mem>>) src(%dma_wait3A_188 : memref<2600000x32xf32, #tpu.memory_space<hbm>>) dst(%dma_wait3A_183 : memref<416x32xf32, #tpu.memory_space<vmem>>)
    %dma_wait3A_189 = arith.constant 832 : i32
    %dma_wait3A_190 = arith.constant 0 : i32
    %dma_wait3A_191 = tpu.memref_slice %arg12[%dma_wait3A_189, %dma_wait3A_190] : memref<1664x32xf32, #tpu.memory_space<vmem>> -> memref<416x32xf32, #tpu.memory_space<vmem>>
    %dma_wait3A_192 = arith.constant 832 : i32
    %dma_wait3A_193 = tpu.memref_slice %arg10[%dma_wait3A_192] : memref<1664xi32, #tpu.memory_space<vmem>> -> memref<416xi32, #tpu.memory_space<vmem>>
    %dma_wait3A_194 = arith.constant 0 : i32
    %dma_wait3A_195 = arith.constant 0 : i32
    %dma_wait3A_196 = tpu.memref_slice %arg3[%dma_wait3A_194, %dma_wait3A_195] : memref<2600000x32xf32, #tpu.memory_space<hbm>> -> memref<2600000x32xf32, #tpu.memory_space<hbm>>
    tpu.wait_indirect_dma semaphore(%arg19 : memref<!tpu.dma_semaphore, #tpu.memory_space<semaphore_mem>>) src(%dma_wait3A_196 : memref<2600000x32xf32, #tpu.memory_space<hbm>>) dst(%dma_wait3A_191 : memref<416x32xf32, #tpu.memory_space<vmem>>)
    %dma_wait3A_197 = arith.constant 1248 : i32
    %dma_wait3A_198 = arith.constant 0 : i32
    %dma_wait3A_199 = tpu.memref_slice %arg12[%dma_wait3A_197, %dma_wait3A_198] : memref<1664x32xf32, #tpu.memory_space<vmem>> -> memref<416x32xf32, #tpu.memory_space<vmem>>
    %dma_wait3A_200 = arith.constant 1248 : i32
    %dma_wait3A_201 = tpu.memref_slice %arg10[%dma_wait3A_200] : memref<1664xi32, #tpu.memory_space<vmem>> -> memref<416xi32, #tpu.memory_space<vmem>>
    %dma_wait3A_202 = arith.constant 0 : i32
    %dma_wait3A_203 = arith.constant 0 : i32
    %dma_wait3A_204 = tpu.memref_slice %arg3[%dma_wait3A_202, %dma_wait3A_203] : memref<2600000x32xf32, #tpu.memory_space<hbm>> -> memref<2600000x32xf32, #tpu.memory_space<hbm>>
    tpu.wait_indirect_dma semaphore(%arg20 : memref<!tpu.dma_semaphore, #tpu.memory_space<semaphore_mem>>) src(%dma_wait3A_204 : memref<2600000x32xf32, #tpu.memory_space<hbm>>) dst(%dma_wait3A_199 : memref<416x32xf32, #tpu.memory_space<vmem>>)
    %add3A_205 = arith.constant 64 : i32
    %add3A_206 = arith.addi %mul3A_2, %add3A_205 : i32
    %mul3A_207 = arith.constant 26 : i32
    %mul3A_208 = arith.muli %add3A_206, %mul3A_207 : i32
    %dma_start3A_209 = arith.constant 0 : i32
    %dma_start3A_210 = tpu.memref_slice %arg4[%mul3A_208, %dma_start3A_209] : memref<425984x32xf32, #tpu.memory_space<hbm>> -> memref<1664x32xf32, #tpu.memory_space<hbm>>
    %dma_start3A_211 = arith.constant 0 : i32
    %dma_start3A_212 = tpu.memref_slice %arg4[%mul3A_208, %dma_start3A_211] : memref<425984x32xf32, #tpu.memory_space<hbm>> -> memref<1664x32xf32, #tpu.memory_space<hbm>>
    tpu.enqueue_dma source(%arg12 : memref<1664x32xf32, #tpu.memory_space<vmem>>) target(%dma_start3A_212 : memref<1664x32xf32, #tpu.memory_space<hbm>>) target_semaphore(%arg22 : memref<!tpu.dma_semaphore, #tpu.memory_space<semaphore_mem>>)
    %dma_wait3A_213 = arith.constant 0 : i32
    %dma_wait3A_214 = tpu.memref_slice %arg4[%mul3A_208, %dma_wait3A_213] : memref<425984x32xf32, #tpu.memory_space<hbm>> -> memref<1664x32xf32, #tpu.memory_space<hbm>>
    %dma_wait3A_215 = arith.constant 0 : i32
    %dma_wait3A_216 = tpu.memref_slice %arg4[%mul3A_208, %dma_wait3A_215] : memref<425984x32xf32, #tpu.memory_space<hbm>> -> memref<1664x32xf32, #tpu.memory_space<hbm>>
    tpu.wait_dma2 semaphore(%arg22 : memref<!tpu.dma_semaphore, #tpu.memory_space<semaphore_mem>>) src(%arg12 : memref<1664x32xf32, #tpu.memory_space<vmem>>) dst(%dma_wait3A_216 : memref<1664x32xf32, #tpu.memory_space<hbm>>)
    %add3A_217 = arith.constant 192 : i32
    %add3A_218 = arith.addi %mul3A_2, %add3A_217 : i32
    "tpu.region"() ({
      %run_scoped3A = tpu.sem_alloc : memref<!tpu.dma_semaphore, #tpu.memory_space<semaphore_mem>>
      %dma_start3A_681 = arith.constant 0 : i32
      %dma_start3A_682 = tpu.memref_slice %arg2[%add3A_218, %dma_start3A_681] : memref<16384x26xi32, #tpu.memory_space<hbm>> -> memref<64x26xi32, #tpu.memory_space<hbm>>
      %dma_start3A_683 = arith.constant 0 : i32
      %dma_start3A_684 = tpu.memref_slice %arg2[%add3A_218, %dma_start3A_683] : memref<16384x26xi32, #tpu.memory_space<hbm>> -> memref<64x26xi32, #tpu.memory_space<hbm>>
      tpu.enqueue_dma source(%dma_start3A_684 : memref<64x26xi32, #tpu.memory_space<hbm>>) target(%arg5 : memref<64x26xi32, #tpu.memory_space<vmem>>) target_semaphore(%run_scoped3A : memref<!tpu.dma_semaphore, #tpu.memory_space<semaphore_mem>>)
      %dma_wait3A_685 = arith.constant 0 : i32
      %dma_wait3A_686 = tpu.memref_slice %arg2[%add3A_218, %dma_wait3A_685] : memref<16384x26xi32, #tpu.memory_space<hbm>> -> memref<64x26xi32, #tpu.memory_space<hbm>>
      %dma_wait3A_687 = arith.constant 0 : i32
      %dma_wait3A_688 = tpu.memref_slice %arg2[%add3A_218, %dma_wait3A_687] : memref<16384x26xi32, #tpu.memory_space<hbm>> -> memref<64x26xi32, #tpu.memory_space<hbm>>
      tpu.wait_dma2 semaphore(%run_scoped3A : memref<!tpu.dma_semaphore, #tpu.memory_space<semaphore_mem>>) src(%dma_wait3A_688 : memref<64x26xi32, #tpu.memory_space<hbm>>) dst(%arg5 : memref<64x26xi32, #tpu.memory_space<vmem>>)
      tpu.yield
    }) : () -> ()
    %scan3A_219 = arith.constant 0 : i32
    %scan3A_220 = arith.constant 0 : i32
    %scan3A_221 = arith.constant 104 : i32
    %scan3A_222 = arith.addi %scan3A_220, %scan3A_221 : i32
    %scan3A_223 = arith.constant 1 : i32
    scf.for %scan3A_681 = %scan3A_220 to %scan3A_222 step %scan3A_223  : i32 {
      %mul3A_682 = arith.constant 16 : i32
      %mul3A_683 = arith.muli %scan3A_681, %mul3A_682 : i32
      %get3A = arith.index_cast %mul3A_683 : i32 to index
      %get3A_684 = tpu.vector_load %arg6[%get3A] {strides = array<i32>} : memref<1664xi32, #tpu.memory_space<vmem>>, vector<16xi32>,
      %get3A_685 = arith.index_cast %mul3A_683 : i32 to index
      %get3A_686 = tpu.vector_load %arg7[%get3A_685] {strides = array<i32>} : memref<1664xi32, #tpu.memory_space<vmem>>, vector<16xi32>,
      %gather3A = tpu.vector_load_idx %arg5[%get3A_684, %get3A_686] : memref<64x26xi32, #tpu.memory_space<vmem>>[vector<16xi32>, vector<16xi32>], vector<16xi32>,
      %get3A_687 = arith.index_cast %mul3A_683 : i32 to index
      %get3A_688 = tpu.vector_load %arg8[%get3A_687] {strides = array<i32>} : memref<1664xi32, #tpu.memory_space<vmem>>, vector<16xi32>,
      %add3A_689 = arith.addi %gather3A, %get3A_688 : vector<16xi32>
      %swap3A = arith.index_cast %mul3A_683 : i32 to index
      %swap3A_690 = tpu.vector_load %arg10[%swap3A] {strides = array<i32>} : memref<1664xi32, #tpu.memory_space<vmem>>, vector<16xi32>,
      tpu.vector_store %arg10[%swap3A], %add3A_689 {strides = array<i32>} : memref<1664xi32, #tpu.memory_space<vmem>>, vector<16xi32>,
    }
    %scan3A_224 = arith.constant 104 : i32
    %dma_start3A_225 = arith.constant 0 : i32
    %dma_start3A_226 = arith.constant 0 : i32
    %dma_start3A_227 = tpu.memref_slice %arg12[%dma_start3A_225, %dma_start3A_226] : memref<1664x32xf32, #tpu.memory_space<vmem>> -> memref<416x32xf32, #tpu.memory_space<vmem>>
    %dma_start3A_228 = arith.constant 0 : i32
    %dma_start3A_229 = tpu.memref_slice %arg10[%dma_start3A_228] : memref<1664xi32, #tpu.memory_space<vmem>> -> memref<416xi32, #tpu.memory_space<vmem>>
    %dma_start3A_230 = arith.constant 0 : i32
    %dma_start3A_231 = arith.constant 0 : i32
    %dma_start3A_232 = tpu.memref_slice %arg3[%dma_start3A_230, %dma_start3A_231] : memref<2600000x32xf32, #tpu.memory_space<hbm>> -> memref<2600000x32xf32, #tpu.memory_space<hbm>>
    tpu.enqueue_indirect_dma source(%dma_start3A_232 : memref<2600000x32xf32, #tpu.memory_space<hbm>>) target(%dma_start3A_227 : memref<416x32xf32, #tpu.memory_space<vmem>>) offsets(%dma_start3A_229 : memref<416xi32, #tpu.memory_space<vmem>>) semaphore(%arg17 : memref<!tpu.dma_semaphore, #tpu.memory_space<semaphore_mem>>)
    %dma_start3A_233 = arith.constant 416 : i32
    %dma_start3A_234 = arith.constant 0 : i32
    %dma_start3A_235 = tpu.memref_slice %arg12[%dma_start3A_233, %dma_start3A_234] : memref<1664x32xf32, #tpu.memory_space<vmem>> -> memref<416x32xf32, #tpu.memory_space<vmem>>
    %dma_start3A_236 = arith.constant 416 : i32
    %dma_start3A_237 = tpu.memref_slice %arg10[%dma_start3A_236] : memref<1664xi32, #tpu.memory_space<vmem>> -> memref<416xi32, #tpu.memory_space<vmem>>
    %dma_start3A_238 = arith.constant 0 : i32
    %dma_start3A_239 = arith.constant 0 : i32
    %dma_start3A_240 = tpu.memref_slice %arg3[%dma_start3A_238, %dma_start3A_239] : memref<2600000x32xf32, #tpu.memory_space<hbm>> -> memref<2600000x32xf32, #tpu.memory_space<hbm>>
    tpu.enqueue_indirect_dma source(%dma_start3A_240 : memref<2600000x32xf32, #tpu.memory_space<hbm>>) target(%dma_start3A_235 : memref<416x32xf32, #tpu.memory_space<vmem>>) offsets(%dma_start3A_237 : memref<416xi32, #tpu.memory_space<vmem>>) semaphore(%arg18 : memref<!tpu.dma_semaphore, #tpu.memory_space<semaphore_mem>>)
    %dma_start3A_241 = arith.constant 832 : i32
    %dma_start3A_242 = arith.constant 0 : i32
    %dma_start3A_243 = tpu.memref_slice %arg12[%dma_start3A_241, %dma_start3A_242] : memref<1664x32xf32, #tpu.memory_space<vmem>> -> memref<416x32xf32, #tpu.memory_space<vmem>>
    %dma_start3A_244 = arith.constant 832 : i32
    %dma_start3A_245 = tpu.memref_slice %arg10[%dma_start3A_244] : memref<1664xi32, #tpu.memory_space<vmem>> -> memref<416xi32, #tpu.memory_space<vmem>>
    %dma_start3A_246 = arith.constant 0 : i32
    %dma_start3A_247 = arith.constant 0 : i32
    %dma_start3A_248 = tpu.memref_slice %arg3[%dma_start3A_246, %dma_start3A_247] : memref<2600000x32xf32, #tpu.memory_space<hbm>> -> memref<2600000x32xf32, #tpu.memory_space<hbm>>
    tpu.enqueue_indirect_dma source(%dma_start3A_248 : memref<2600000x32xf32, #tpu.memory_space<hbm>>) target(%dma_start3A_243 : memref<416x32xf32, #tpu.memory_space<vmem>>) offsets(%dma_start3A_245 : memref<416xi32, #tpu.memory_space<vmem>>) semaphore(%arg19 : memref<!tpu.dma_semaphore, #tpu.memory_space<semaphore_mem>>)
    %dma_start3A_249 = arith.constant 1248 : i32
    %dma_start3A_250 = arith.constant 0 : i32
    %dma_start3A_251 = tpu.memref_slice %arg12[%dma_start3A_249, %dma_start3A_250] : memref<1664x32xf32, #tpu.memory_space<vmem>> -> memref<416x32xf32, #tpu.memory_space<vmem>>
    %dma_start3A_252 = arith.constant 1248 : i32
    %dma_start3A_253 = tpu.memref_slice %arg10[%dma_start3A_252] : memref<1664xi32, #tpu.memory_space<vmem>> -> memref<416xi32, #tpu.memory_space<vmem>>
    %dma_start3A_254 = arith.constant 0 : i32
    %dma_start3A_255 = arith.constant 0 : i32
    %dma_start3A_256 = tpu.memref_slice %arg3[%dma_start3A_254, %dma_start3A_255] : memref<2600000x32xf32, #tpu.memory_space<hbm>> -> memref<2600000x32xf32, #tpu.memory_space<hbm>>
    tpu.enqueue_indirect_dma source(%dma_start3A_256 : memref<2600000x32xf32, #tpu.memory_space<hbm>>) target(%dma_start3A_251 : memref<416x32xf32, #tpu.memory_space<vmem>>) offsets(%dma_start3A_253 : memref<416xi32, #tpu.memory_space<vmem>>) semaphore(%arg20 : memref<!tpu.dma_semaphore, #tpu.memory_space<semaphore_mem>>)
    %dma_wait3A_257 = arith.constant 0 : i32
    %dma_wait3A_258 = arith.constant 0 : i32
    %dma_wait3A_259 = tpu.memref_slice %arg11[%dma_wait3A_257, %dma_wait3A_258] : memref<1664x32xf32, #tpu.memory_space<vmem>> -> memref<416x32xf32, #tpu.memory_space<vmem>>
    %dma_wait3A_260 = arith.constant 0 : i32
    %dma_wait3A_261 = tpu.memref_slice %arg9[%dma_wait3A_260] : memref<1664xi32, #tpu.memory_space<vmem>> -> memref<416xi32, #tpu.memory_space<vmem>>
    %dma_wait3A_262 = arith.constant 0 : i32
    %dma_wait3A_263 = arith.constant 0 : i32
    %dma_wait3A_264 = tpu.memref_slice %arg3[%dma_wait3A_262, %dma_wait3A_263] : memref<2600000x32xf32, #tpu.memory_space<hbm>> -> memref<2600000x32xf32, #tpu.memory_space<hbm>>
    tpu.wait_indirect_dma semaphore(%arg13 : memref<!tpu.dma_semaphore, #tpu.memory_space<semaphore_mem>>) src(%dma_wait3A_264 : memref<2600000x32xf32, #tpu.memory_space<hbm>>) dst(%dma_wait3A_259 : memref<416x32xf32, #tpu.memory_space<vmem>>)
    %dma_wait3A_265 = arith.constant 416 : i32
    %dma_wait3A_266 = arith.constant 0 : i32
    %dma_wait3A_267 = tpu.memref_slice %arg11[%dma_wait3A_265, %dma_wait3A_266] : memref<1664x32xf32, #tpu.memory_space<vmem>> -> memref<416x32xf32, #tpu.memory_space<vmem>>
    %dma_wait3A_268 = arith.constant 416 : i32
    %dma_wait3A_269 = tpu.memref_slice %arg9[%dma_wait3A_268] : memref<1664xi32, #tpu.memory_space<vmem>> -> memref<416xi32, #tpu.memory_space<vmem>>
    %dma_wait3A_270 = arith.constant 0 : i32
    %dma_wait3A_271 = arith.constant 0 : i32
    %dma_wait3A_272 = tpu.memref_slice %arg3[%dma_wait3A_270, %dma_wait3A_271] : memref<2600000x32xf32, #tpu.memory_space<hbm>> -> memref<2600000x32xf32, #tpu.memory_space<hbm>>
    tpu.wait_indirect_dma semaphore(%arg14 : memref<!tpu.dma_semaphore, #tpu.memory_space<semaphore_mem>>) src(%dma_wait3A_272 : memref<2600000x32xf32, #tpu.memory_space<hbm>>) dst(%dma_wait3A_267 : memref<416x32xf32, #tpu.memory_space<vmem>>)
    %dma_wait3A_273 = arith.constant 832 : i32
    %dma_wait3A_274 = arith.constant 0 : i32
    %dma_wait3A_275 = tpu.memref_slice %arg11[%dma_wait3A_273, %dma_wait3A_274] : memref<1664x32xf32, #tpu.memory_space<vmem>> -> memref<416x32xf32, #tpu.memory_space<vmem>>
    %dma_wait3A_276 = arith.constant 832 : i32
    %dma_wait3A_277 = tpu.memref_slice %arg9[%dma_wait3A_276] : memref<1664xi32, #tpu.memory_space<vmem>> -> memref<416xi32, #tpu.memory_space<vmem>>
    %dma_wait3A_278 = arith.constant 0 : i32
    %dma_wait3A_279 = arith.constant 0 : i32
    %dma_wait3A_280 = tpu.memref_slice %arg3[%dma_wait3A_278, %dma_wait3A_279] : memref<2600000x32xf32, #tpu.memory_space<hbm>> -> memref<2600000x32xf32, #tpu.memory_space<hbm>>
    tpu.wait_indirect_dma semaphore(%arg15 : memref<!tpu.dma_semaphore, #tpu.memory_space<semaphore_mem>>) src(%dma_wait3A_280 : memref<2600000x32xf32, #tpu.memory_space<hbm>>) dst(%dma_wait3A_275 : memref<416x32xf32, #tpu.memory_space<vmem>>)
    %dma_wait3A_281 = arith.constant 1248 : i32
    %dma_wait3A_282 = arith.constant 0 : i32
    %dma_wait3A_283 = tpu.memref_slice %arg11[%dma_wait3A_281, %dma_wait3A_282] : memref<1664x32xf32, #tpu.memory_space<vmem>> -> memref<416x32xf32, #tpu.memory_space<vmem>>
    %dma_wait3A_284 = arith.constant 1248 : i32
    %dma_wait3A_285 = tpu.memref_slice %arg9[%dma_wait3A_284] : memref<1664xi32, #tpu.memory_space<vmem>> -> memref<416xi32, #tpu.memory_space<vmem>>
    %dma_wait3A_286 = arith.constant 0 : i32
    %dma_wait3A_287 = arith.constant 0 : i32
    %dma_wait3A_288 = tpu.memref_slice %arg3[%dma_wait3A_286, %dma_wait3A_287] : memref<2600000x32xf32, #tpu.memory_space<hbm>> -> memref<2600000x32xf32, #tpu.memory_space<hbm>>
    tpu.wait_indirect_dma semaphore(%arg16 : memref<!tpu.dma_semaphore, #tpu.memory_space<semaphore_mem>>) src(%dma_wait3A_288 : memref<2600000x32xf32, #tpu.memory_space<hbm>>) dst(%dma_wait3A_283 : memref<416x32xf32, #tpu.memory_space<vmem>>)
    %add3A_289 = arith.constant 128 : i32
    %add3A_290 = arith.addi %mul3A_2, %add3A_289 : i32
    %mul3A_291 = arith.constant 26 : i32
    %mul3A_292 = arith.muli %add3A_290, %mul3A_291 : i32
    %dma_start3A_293 = arith.constant 0 : i32
    %dma_start3A_294 = tpu.memref_slice %arg4[%mul3A_292, %dma_start3A_293] : memref<425984x32xf32, #tpu.memory_space<hbm>> -> memref<1664x32xf32, #tpu.memory_space<hbm>>
    %dma_start3A_295 = arith.constant 0 : i32
    %dma_start3A_296 = tpu.memref_slice %arg4[%mul3A_292, %dma_start3A_295] : memref<425984x32xf32, #tpu.memory_space<hbm>> -> memref<1664x32xf32, #tpu.memory_space<hbm>>
    tpu.enqueue_dma source(%arg11 : memref<1664x32xf32, #tpu.memory_space<vmem>>) target(%dma_start3A_296 : memref<1664x32xf32, #tpu.memory_space<hbm>>) target_semaphore(%arg21 : memref<!tpu.dma_semaphore, #tpu.memory_space<semaphore_mem>>)
    %dma_wait3A_297 = arith.constant 0 : i32
    %dma_wait3A_298 = tpu.memref_slice %arg4[%mul3A_292, %dma_wait3A_297] : memref<425984x32xf32, #tpu.memory_space<hbm>> -> memref<1664x32xf32, #tpu.memory_space<hbm>>
    %dma_wait3A_299 = arith.constant 0 : i32
    %dma_wait3A_300 = tpu.memref_slice %arg4[%mul3A_292, %dma_wait3A_299] : memref<425984x32xf32, #tpu.memory_space<hbm>> -> memref<1664x32xf32, #tpu.memory_space<hbm>>
    tpu.wait_dma2 semaphore(%arg21 : memref<!tpu.dma_semaphore, #tpu.memory_space<semaphore_mem>>) src(%arg11 : memref<1664x32xf32, #tpu.memory_space<vmem>>) dst(%dma_wait3A_300 : memref<1664x32xf32, #tpu.memory_space<hbm>>)
    %add3A_301 = arith.constant 256 : i32
    %add3A_302 = arith.addi %mul3A_2, %add3A_301 : i32
    "tpu.region"() ({
      %run_scoped3A = tpu.sem_alloc : memref<!tpu.dma_semaphore, #tpu.memory_space<semaphore_mem>>
      %dma_start3A_681 = arith.constant 0 : i32
      %dma_start3A_682 = tpu.memref_slice %arg2[%add3A_302, %dma_start3A_681] : memref<16384x26xi32, #tpu.memory_space<hbm>> -> memref<64x26xi32, #tpu.memory_space<hbm>>
      %dma_start3A_683 = arith.constant 0 : i32
      %dma_start3A_684 = tpu.memref_slice %arg2[%add3A_302, %dma_start3A_683] : memref<16384x26xi32, #tpu.memory_space<hbm>> -> memref<64x26xi32, #tpu.memory_space<hbm>>
      tpu.enqueue_dma source(%dma_start3A_684 : memref<64x26xi32, #tpu.memory_space<hbm>>) target(%arg5 : memref<64x26xi32, #tpu.memory_space<vmem>>) target_semaphore(%run_scoped3A : memref<!tpu.dma_semaphore, #tpu.memory_space<semaphore_mem>>)
      %dma_wait3A_685 = arith.constant 0 : i32
      %dma_wait3A_686 = tpu.memref_slice %arg2[%add3A_302, %dma_wait3A_685] : memref<16384x26xi32, #tpu.memory_space<hbm>> -> memref<64x26xi32, #tpu.memory_space<hbm>>
      %dma_wait3A_687 = arith.constant 0 : i32
      %dma_wait3A_688 = tpu.memref_slice %arg2[%add3A_302, %dma_wait3A_687] : memref<16384x26xi32, #tpu.memory_space<hbm>> -> memref<64x26xi32, #tpu.memory_space<hbm>>
      tpu.wait_dma2 semaphore(%run_scoped3A : memref<!tpu.dma_semaphore, #tpu.memory_space<semaphore_mem>>) src(%dma_wait3A_688 : memref<64x26xi32, #tpu.memory_space<hbm>>) dst(%arg5 : memref<64x26xi32, #tpu.memory_space<vmem>>)
      tpu.yield
    }) : () -> ()
    %scan3A_303 = arith.constant 0 : i32
    %scan3A_304 = arith.constant 0 : i32
    %scan3A_305 = arith.constant 104 : i32
    %scan3A_306 = arith.addi %scan3A_304, %scan3A_305 : i32
    %scan3A_307 = arith.constant 1 : i32
    scf.for %scan3A_681 = %scan3A_304 to %scan3A_306 step %scan3A_307  : i32 {
      %mul3A_682 = arith.constant 16 : i32
      %mul3A_683 = arith.muli %scan3A_681, %mul3A_682 : i32
      %get3A = arith.index_cast %mul3A_683 : i32 to index
      %get3A_684 = tpu.vector_load %arg6[%get3A] {strides = array<i32>} : memref<1664xi32, #tpu.memory_space<vmem>>, vector<16xi32>,
      %get3A_685 = arith.index_cast %mul3A_683 : i32 to index
      %get3A_686 = tpu.vector_load %arg7[%get3A_685] {strides = array<i32>} : memref<1664xi32, #tpu.memory_space<vmem>>, vector<16xi32>,
      %gather3A = tpu.vector_load_idx %arg5[%get3A_684, %get3A_686] : memref<64x26xi32, #tpu.memory_space<vmem>>[vector<16xi32>, vector<16xi32>], vector<16xi32>,
      %get3A_687 = arith.index_cast %mul3A_683 : i32 to index
      %get3A_688 = tpu.vector_load %arg8[%get3A_687] {strides = array<i32>} : memref<1664xi32, #tpu.memory_space<vmem>>, vector<16xi32>,
      %add3A_689 = arith.addi %gather3A, %get3A_688 : vector<16xi32>
      %swap3A = arith.index_cast %mul3A_683 : i32 to index
      %swap3A_690 = tpu.vector_load %arg9[%swap3A] {strides = array<i32>} : memref<1664xi32, #tpu.memory_space<vmem>>, vector<16xi32>,
      tpu.vector_store %arg9[%swap3A], %add3A_689 {strides = array<i32>} : memref<1664xi32, #tpu.memory_space<vmem>>, vector<16xi32>,
    }
    %scan3A_308 = arith.constant 104 : i32
    %dma_start3A_309 = arith.constant 0 : i32
    %dma_start3A_310 = arith.constant 0 : i32
    %dma_start3A_311 = tpu.memref_slice %arg11[%dma_start3A_309, %dma_start3A_310] : memref<1664x32xf32, #tpu.memory_space<vmem>> -> memref<416x32xf32, #tpu.memory_space<vmem>>
    %dma_start3A_312 = arith.constant 0 : i32
    %dma_start3A_313 = tpu.memref_slice %arg9[%dma_start3A_312] : memref<1664xi32, #tpu.memory_space<vmem>> -> memref<416xi32, #tpu.memory_space<vmem>>
    %dma_start3A_314 = arith.constant 0 : i32
    %dma_start3A_315 = arith.constant 0 : i32
    %dma_start3A_316 = tpu.memref_slice %arg3[%dma_start3A_314, %dma_start3A_315] : memref<2600000x32xf32, #tpu.memory_space<hbm>> -> memref<2600000x32xf32, #tpu.memory_space<hbm>>
    tpu.enqueue_indirect_dma source(%dma_start3A_316 : memref<2600000x32xf32, #tpu.memory_space<hbm>>) target(%dma_start3A_311 : memref<416x32xf32, #tpu.memory_space<vmem>>) offsets(%dma_start3A_313 : memref<416xi32, #tpu.memory_space<vmem>>) semaphore(%arg13 : memref<!tpu.dma_semaphore, #tpu.memory_space<semaphore_mem>>)
    %dma_start3A_317 = arith.constant 416 : i32
    %dma_start3A_318 = arith.constant 0 : i32
    %dma_start3A_319 = tpu.memref_slice %arg11[%dma_start3A_317, %dma_start3A_318] : memref<1664x32xf32, #tpu.memory_space<vmem>> -> memref<416x32xf32, #tpu.memory_space<vmem>>
    %dma_start3A_320 = arith.constant 416 : i32
    %dma_start3A_321 = tpu.memref_slice %arg9[%dma_start3A_320] : memref<1664xi32, #tpu.memory_space<vmem>> -> memref<416xi32, #tpu.memory_space<vmem>>
    %dma_start3A_322 = arith.constant 0 : i32
    %dma_start3A_323 = arith.constant 0 : i32
    %dma_start3A_324 = tpu.memref_slice %arg3[%dma_start3A_322, %dma_start3A_323] : memref<2600000x32xf32, #tpu.memory_space<hbm>> -> memref<2600000x32xf32, #tpu.memory_space<hbm>>
    tpu.enqueue_indirect_dma source(%dma_start3A_324 : memref<2600000x32xf32, #tpu.memory_space<hbm>>) target(%dma_start3A_319 : memref<416x32xf32, #tpu.memory_space<vmem>>) offsets(%dma_start3A_321 : memref<416xi32, #tpu.memory_space<vmem>>) semaphore(%arg14 : memref<!tpu.dma_semaphore, #tpu.memory_space<semaphore_mem>>)
    %dma_start3A_325 = arith.constant 832 : i32
    %dma_start3A_326 = arith.constant 0 : i32
    %dma_start3A_327 = tpu.memref_slice %arg11[%dma_start3A_325, %dma_start3A_326] : memref<1664x32xf32, #tpu.memory_space<vmem>> -> memref<416x32xf32, #tpu.memory_space<vmem>>
    %dma_start3A_328 = arith.constant 832 : i32
    %dma_start3A_329 = tpu.memref_slice %arg9[%dma_start3A_328] : memref<1664xi32, #tpu.memory_space<vmem>> -> memref<416xi32, #tpu.memory_space<vmem>>
    %dma_start3A_330 = arith.constant 0 : i32
    %dma_start3A_331 = arith.constant 0 : i32
    %dma_start3A_332 = tpu.memref_slice %arg3[%dma_start3A_330, %dma_start3A_331] : memref<2600000x32xf32, #tpu.memory_space<hbm>> -> memref<2600000x32xf32, #tpu.memory_space<hbm>>
    tpu.enqueue_indirect_dma source(%dma_start3A_332 : memref<2600000x32xf32, #tpu.memory_space<hbm>>) target(%dma_start3A_327 : memref<416x32xf32, #tpu.memory_space<vmem>>) offsets(%dma_start3A_329 : memref<416xi32, #tpu.memory_space<vmem>>) semaphore(%arg15 : memref<!tpu.dma_semaphore, #tpu.memory_space<semaphore_mem>>)
    %dma_start3A_333 = arith.constant 1248 : i32
    %dma_start3A_334 = arith.constant 0 : i32
    %dma_start3A_335 = tpu.memref_slice %arg11[%dma_start3A_333, %dma_start3A_334] : memref<1664x32xf32, #tpu.memory_space<vmem>> -> memref<416x32xf32, #tpu.memory_space<vmem>>
    %dma_start3A_336 = arith.constant 1248 : i32
    %dma_start3A_337 = tpu.memref_slice %arg9[%dma_start3A_336] : memref<1664xi32, #tpu.memory_space<vmem>> -> memref<416xi32, #tpu.memory_space<vmem>>
    %dma_start3A_338 = arith.constant 0 : i32
    %dma_start3A_339 = arith.constant 0 : i32
    %dma_start3A_340 = tpu.memref_slice %arg3[%dma_start3A_338, %dma_start3A_339] : memref<2600000x32xf32, #tpu.memory_space<hbm>> -> memref<2600000x32xf32, #tpu.memory_space<hbm>>
    tpu.enqueue_indirect_dma source(%dma_start3A_340 : memref<2600000x32xf32, #tpu.memory_space<hbm>>) target(%dma_start3A_335 : memref<416x32xf32, #tpu.memory_space<vmem>>) offsets(%dma_start3A_337 : memref<416xi32, #tpu.memory_space<vmem>>) semaphore(%arg16 : memref<!tpu.dma_semaphore, #tpu.memory_space<semaphore_mem>>)
    %dma_wait3A_341 = arith.constant 0 : i32
    %dma_wait3A_342 = arith.constant 0 : i32
    %dma_wait3A_343 = tpu.memref_slice %arg12[%dma_wait3A_341, %dma_wait3A_342] : memref<1664x32xf32, #tpu.memory_space<vmem>> -> memref<416x32xf32, #tpu.memory_space<vmem>>
    %dma_wait3A_344 = arith.constant 0 : i32
    %dma_wait3A_345 = tpu.memref_slice %arg10[%dma_wait3A_344] : memref<1664xi32, #tpu.memory_space<vmem>> -> memref<416xi32, #tpu.memory_space<vmem>>
    %dma_wait3A_346 = arith.constant 0 : i32
    %dma_wait3A_347 = arith.constant 0 : i32
    %dma_wait3A_348 = tpu.memref_slice %arg3[%dma_wait3A_346, %dma_wait3A_347] : memref<2600000x32xf32, #tpu.memory_space<hbm>> -> memref<2600000x32xf32, #tpu.memory_space<hbm>>
    tpu.wait_indirect_dma semaphore(%arg17 : memref<!tpu.dma_semaphore, #tpu.memory_space<semaphore_mem>>) src(%dma_wait3A_348 : memref<2600000x32xf32, #tpu.memory_space<hbm>>) dst(%dma_wait3A_343 : memref<416x32xf32, #tpu.memory_space<vmem>>)
    %dma_wait3A_349 = arith.constant 416 : i32
    %dma_wait3A_350 = arith.constant 0 : i32
    %dma_wait3A_351 = tpu.memref_slice %arg12[%dma_wait3A_349, %dma_wait3A_350] : memref<1664x32xf32, #tpu.memory_space<vmem>> -> memref<416x32xf32, #tpu.memory_space<vmem>>
    %dma_wait3A_352 = arith.constant 416 : i32
    %dma_wait3A_353 = tpu.memref_slice %arg10[%dma_wait3A_352] : memref<1664xi32, #tpu.memory_space<vmem>> -> memref<416xi32, #tpu.memory_space<vmem>>
    %dma_wait3A_354 = arith.constant 0 : i32
    %dma_wait3A_355 = arith.constant 0 : i32
    %dma_wait3A_356 = tpu.memref_slice %arg3[%dma_wait3A_354, %dma_wait3A_355] : memref<2600000x32xf32, #tpu.memory_space<hbm>> -> memref<2600000x32xf32, #tpu.memory_space<hbm>>
    tpu.wait_indirect_dma semaphore(%arg18 : memref<!tpu.dma_semaphore, #tpu.memory_space<semaphore_mem>>) src(%dma_wait3A_356 : memref<2600000x32xf32, #tpu.memory_space<hbm>>) dst(%dma_wait3A_351 : memref<416x32xf32, #tpu.memory_space<vmem>>)
    %dma_wait3A_357 = arith.constant 832 : i32
    %dma_wait3A_358 = arith.constant 0 : i32
    %dma_wait3A_359 = tpu.memref_slice %arg12[%dma_wait3A_357, %dma_wait3A_358] : memref<1664x32xf32, #tpu.memory_space<vmem>> -> memref<416x32xf32, #tpu.memory_space<vmem>>
    %dma_wait3A_360 = arith.constant 832 : i32
    %dma_wait3A_361 = tpu.memref_slice %arg10[%dma_wait3A_360] : memref<1664xi32, #tpu.memory_space<vmem>> -> memref<416xi32, #tpu.memory_space<vmem>>
    %dma_wait3A_362 = arith.constant 0 : i32
    %dma_wait3A_363 = arith.constant 0 : i32
    %dma_wait3A_364 = tpu.memref_slice %arg3[%dma_wait3A_362, %dma_wait3A_363] : memref<2600000x32xf32, #tpu.memory_space<hbm>> -> memref<2600000x32xf32, #tpu.memory_space<hbm>>
    tpu.wait_indirect_dma semaphore(%arg19 : memref<!tpu.dma_semaphore, #tpu.memory_space<semaphore_mem>>) src(%dma_wait3A_364 : memref<2600000x32xf32, #tpu.memory_space<hbm>>) dst(%dma_wait3A_359 : memref<416x32xf32, #tpu.memory_space<vmem>>)
    %dma_wait3A_365 = arith.constant 1248 : i32
    %dma_wait3A_366 = arith.constant 0 : i32
    %dma_wait3A_367 = tpu.memref_slice %arg12[%dma_wait3A_365, %dma_wait3A_366] : memref<1664x32xf32, #tpu.memory_space<vmem>> -> memref<416x32xf32, #tpu.memory_space<vmem>>
    %dma_wait3A_368 = arith.constant 1248 : i32
    %dma_wait3A_369 = tpu.memref_slice %arg10[%dma_wait3A_368] : memref<1664xi32, #tpu.memory_space<vmem>> -> memref<416xi32, #tpu.memory_space<vmem>>
    %dma_wait3A_370 = arith.constant 0 : i32
    %dma_wait3A_371 = arith.constant 0 : i32
    %dma_wait3A_372 = tpu.memref_slice %arg3[%dma_wait3A_370, %dma_wait3A_371] : memref<2600000x32xf32, #tpu.memory_space<hbm>> -> memref<2600000x32xf32, #tpu.memory_space<hbm>>
    tpu.wait_indirect_dma semaphore(%arg20 : memref<!tpu.dma_semaphore, #tpu.memory_space<semaphore_mem>>) src(%dma_wait3A_372 : memref<2600000x32xf32, #tpu.memory_space<hbm>>) dst(%dma_wait3A_367 : memref<416x32xf32, #tpu.memory_space<vmem>>)
    %add3A_373 = arith.constant 192 : i32
    %add3A_374 = arith.addi %mul3A_2, %add3A_373 : i32
    %mul3A_375 = arith.constant 26 : i32
    %mul3A_376 = arith.muli %add3A_374, %mul3A_375 : i32
    %dma_start3A_377 = arith.constant 0 : i32
    %dma_start3A_378 = tpu.memref_slice %arg4[%mul3A_376, %dma_start3A_377] : memref<425984x32xf32, #tpu.memory_space<hbm>> -> memref<1664x32xf32, #tpu.memory_space<hbm>>
    %dma_start3A_379 = arith.constant 0 : i32
    %dma_start3A_380 = tpu.memref_slice %arg4[%mul3A_376, %dma_start3A_379] : memref<425984x32xf32, #tpu.memory_space<hbm>> -> memref<1664x32xf32, #tpu.memory_space<hbm>>
    tpu.enqueue_dma source(%arg12 : memref<1664x32xf32, #tpu.memory_space<vmem>>) target(%dma_start3A_380 : memref<1664x32xf32, #tpu.memory_space<hbm>>) target_semaphore(%arg22 : memref<!tpu.dma_semaphore, #tpu.memory_space<semaphore_mem>>)
    %dma_wait3A_381 = arith.constant 0 : i32
    %dma_wait3A_382 = tpu.memref_slice %arg4[%mul3A_376, %dma_wait3A_381] : memref<425984x32xf32, #tpu.memory_space<hbm>> -> memref<1664x32xf32, #tpu.memory_space<hbm>>
    %dma_wait3A_383 = arith.constant 0 : i32
    %dma_wait3A_384 = tpu.memref_slice %arg4[%mul3A_376, %dma_wait3A_383] : memref<425984x32xf32, #tpu.memory_space<hbm>> -> memref<1664x32xf32, #tpu.memory_space<hbm>>
    tpu.wait_dma2 semaphore(%arg22 : memref<!tpu.dma_semaphore, #tpu.memory_space<semaphore_mem>>) src(%arg12 : memref<1664x32xf32, #tpu.memory_space<vmem>>) dst(%dma_wait3A_384 : memref<1664x32xf32, #tpu.memory_space<hbm>>)
    %add3A_385 = arith.constant 320 : i32
    %add3A_386 = arith.addi %mul3A_2, %add3A_385 : i32
    "tpu.region"() ({
      %run_scoped3A = tpu.sem_alloc : memref<!tpu.dma_semaphore, #tpu.memory_space<semaphore_mem>>
      %dma_start3A_681 = arith.constant 0 : i32
      %dma_start3A_682 = tpu.memref_slice %arg2[%add3A_386, %dma_start3A_681] : memref<16384x26xi32, #tpu.memory_space<hbm>> -> memref<64x26xi32, #tpu.memory_space<hbm>>
      %dma_start3A_683 = arith.constant 0 : i32
      %dma_start3A_684 = tpu.memref_slice %arg2[%add3A_386, %dma_start3A_683] : memref<16384x26xi32, #tpu.memory_space<hbm>> -> memref<64x26xi32, #tpu.memory_space<hbm>>
      tpu.enqueue_dma source(%dma_start3A_684 : memref<64x26xi32, #tpu.memory_space<hbm>>) target(%arg5 : memref<64x26xi32, #tpu.memory_space<vmem>>) target_semaphore(%run_scoped3A : memref<!tpu.dma_semaphore, #tpu.memory_space<semaphore_mem>>)
      %dma_wait3A_685 = arith.constant 0 : i32
      %dma_wait3A_686 = tpu.memref_slice %arg2[%add3A_386, %dma_wait3A_685] : memref<16384x26xi32, #tpu.memory_space<hbm>> -> memref<64x26xi32, #tpu.memory_space<hbm>>
      %dma_wait3A_687 = arith.constant 0 : i32
      %dma_wait3A_688 = tpu.memref_slice %arg2[%add3A_386, %dma_wait3A_687] : memref<16384x26xi32, #tpu.memory_space<hbm>> -> memref<64x26xi32, #tpu.memory_space<hbm>>
      tpu.wait_dma2 semaphore(%run_scoped3A : memref<!tpu.dma_semaphore, #tpu.memory_space<semaphore_mem>>) src(%dma_wait3A_688 : memref<64x26xi32, #tpu.memory_space<hbm>>) dst(%arg5 : memref<64x26xi32, #tpu.memory_space<vmem>>)
      tpu.yield
    }) : () -> ()
    %scan3A_387 = arith.constant 0 : i32
    %scan3A_388 = arith.constant 0 : i32
    %scan3A_389 = arith.constant 104 : i32
    %scan3A_390 = arith.addi %scan3A_388, %scan3A_389 : i32
    %scan3A_391 = arith.constant 1 : i32
    scf.for %scan3A_681 = %scan3A_388 to %scan3A_390 step %scan3A_391  : i32 {
      %mul3A_682 = arith.constant 16 : i32
      %mul3A_683 = arith.muli %scan3A_681, %mul3A_682 : i32
      %get3A = arith.index_cast %mul3A_683 : i32 to index
      %get3A_684 = tpu.vector_load %arg6[%get3A] {strides = array<i32>} : memref<1664xi32, #tpu.memory_space<vmem>>, vector<16xi32>,
      %get3A_685 = arith.index_cast %mul3A_683 : i32 to index
      %get3A_686 = tpu.vector_load %arg7[%get3A_685] {strides = array<i32>} : memref<1664xi32, #tpu.memory_space<vmem>>, vector<16xi32>,
      %gather3A = tpu.vector_load_idx %arg5[%get3A_684, %get3A_686] : memref<64x26xi32, #tpu.memory_space<vmem>>[vector<16xi32>, vector<16xi32>], vector<16xi32>,
      %get3A_687 = arith.index_cast %mul3A_683 : i32 to index
      %get3A_688 = tpu.vector_load %arg8[%get3A_687] {strides = array<i32>} : memref<1664xi32, #tpu.memory_space<vmem>>, vector<16xi32>,
      %add3A_689 = arith.addi %gather3A, %get3A_688 : vector<16xi32>
      %swap3A = arith.index_cast %mul3A_683 : i32 to index
      %swap3A_690 = tpu.vector_load %arg10[%swap3A] {strides = array<i32>} : memref<1664xi32, #tpu.memory_space<vmem>>, vector<16xi32>,
      tpu.vector_store %arg10[%swap3A], %add3A_689 {strides = array<i32>} : memref<1664xi32, #tpu.memory_space<vmem>>, vector<16xi32>,
    }
    %scan3A_392 = arith.constant 104 : i32
    %dma_start3A_393 = arith.constant 0 : i32
    %dma_start3A_394 = arith.constant 0 : i32
    %dma_start3A_395 = tpu.memref_slice %arg12[%dma_start3A_393, %dma_start3A_394] : memref<1664x32xf32, #tpu.memory_space<vmem>> -> memref<416x32xf32, #tpu.memory_space<vmem>>
    %dma_start3A_396 = arith.constant 0 : i32
    %dma_start3A_397 = tpu.memref_slice %arg10[%dma_start3A_396] : memref<1664xi32, #tpu.memory_space<vmem>> -> memref<416xi32, #tpu.memory_space<vmem>>
    %dma_start3A_398 = arith.constant 0 : i32
    %dma_start3A_399 = arith.constant 0 : i32
    %dma_start3A_400 = tpu.memref_slice %arg3[%dma_start3A_398, %dma_start3A_399] : memref<2600000x32xf32, #tpu.memory_space<hbm>> -> memref<2600000x32xf32, #tpu.memory_space<hbm>>
    tpu.enqueue_indirect_dma source(%dma_start3A_400 : memref<2600000x32xf32, #tpu.memory_space<hbm>>) target(%dma_start3A_395 : memref<416x32xf32, #tpu.memory_space<vmem>>) offsets(%dma_start3A_397 : memref<416xi32, #tpu.memory_space<vmem>>) semaphore(%arg17 : memref<!tpu.dma_semaphore, #tpu.memory_space<semaphore_mem>>)
    %dma_start3A_401 = arith.constant 416 : i32
    %dma_start3A_402 = arith.constant 0 : i32
    %dma_start3A_403 = tpu.memref_slice %arg12[%dma_start3A_401, %dma_start3A_402] : memref<1664x32xf32, #tpu.memory_space<vmem>> -> memref<416x32xf32, #tpu.memory_space<vmem>>
    %dma_start3A_404 = arith.constant 416 : i32
    %dma_start3A_405 = tpu.memref_slice %arg10[%dma_start3A_404] : memref<1664xi32, #tpu.memory_space<vmem>> -> memref<416xi32, #tpu.memory_space<vmem>>
    %dma_start3A_406 = arith.constant 0 : i32
    %dma_start3A_407 = arith.constant 0 : i32
    %dma_start3A_408 = tpu.memref_slice %arg3[%dma_start3A_406, %dma_start3A_407] : memref<2600000x32xf32, #tpu.memory_space<hbm>> -> memref<2600000x32xf32, #tpu.memory_space<hbm>>
    tpu.enqueue_indirect_dma source(%dma_start3A_408 : memref<2600000x32xf32, #tpu.memory_space<hbm>>) target(%dma_start3A_403 : memref<416x32xf32, #tpu.memory_space<vmem>>) offsets(%dma_start3A_405 : memref<416xi32, #tpu.memory_space<vmem>>) semaphore(%arg18 : memref<!tpu.dma_semaphore, #tpu.memory_space<semaphore_mem>>)
    %dma_start3A_409 = arith.constant 832 : i32
    %dma_start3A_410 = arith.constant 0 : i32
    %dma_start3A_411 = tpu.memref_slice %arg12[%dma_start3A_409, %dma_start3A_410] : memref<1664x32xf32, #tpu.memory_space<vmem>> -> memref<416x32xf32, #tpu.memory_space<vmem>>
    %dma_start3A_412 = arith.constant 832 : i32
    %dma_start3A_413 = tpu.memref_slice %arg10[%dma_start3A_412] : memref<1664xi32, #tpu.memory_space<vmem>> -> memref<416xi32, #tpu.memory_space<vmem>>
    %dma_start3A_414 = arith.constant 0 : i32
    %dma_start3A_415 = arith.constant 0 : i32
    %dma_start3A_416 = tpu.memref_slice %arg3[%dma_start3A_414, %dma_start3A_415] : memref<2600000x32xf32, #tpu.memory_space<hbm>> -> memref<2600000x32xf32, #tpu.memory_space<hbm>>
    tpu.enqueue_indirect_dma source(%dma_start3A_416 : memref<2600000x32xf32, #tpu.memory_space<hbm>>) target(%dma_start3A_411 : memref<416x32xf32, #tpu.memory_space<vmem>>) offsets(%dma_start3A_413 : memref<416xi32, #tpu.memory_space<vmem>>) semaphore(%arg19 : memref<!tpu.dma_semaphore, #tpu.memory_space<semaphore_mem>>)
    %dma_start3A_417 = arith.constant 1248 : i32
    %dma_start3A_418 = arith.constant 0 : i32
    %dma_start3A_419 = tpu.memref_slice %arg12[%dma_start3A_417, %dma_start3A_418] : memref<1664x32xf32, #tpu.memory_space<vmem>> -> memref<416x32xf32, #tpu.memory_space<vmem>>
    %dma_start3A_420 = arith.constant 1248 : i32
    %dma_start3A_421 = tpu.memref_slice %arg10[%dma_start3A_420] : memref<1664xi32, #tpu.memory_space<vmem>> -> memref<416xi32, #tpu.memory_space<vmem>>
    %dma_start3A_422 = arith.constant 0 : i32
    %dma_start3A_423 = arith.constant 0 : i32
    %dma_start3A_424 = tpu.memref_slice %arg3[%dma_start3A_422, %dma_start3A_423] : memref<2600000x32xf32, #tpu.memory_space<hbm>> -> memref<2600000x32xf32, #tpu.memory_space<hbm>>
    tpu.enqueue_indirect_dma source(%dma_start3A_424 : memref<2600000x32xf32, #tpu.memory_space<hbm>>) target(%dma_start3A_419 : memref<416x32xf32, #tpu.memory_space<vmem>>) offsets(%dma_start3A_421 : memref<416xi32, #tpu.memory_space<vmem>>) semaphore(%arg20 : memref<!tpu.dma_semaphore, #tpu.memory_space<semaphore_mem>>)
    %dma_wait3A_425 = arith.constant 0 : i32
    %dma_wait3A_426 = arith.constant 0 : i32
    %dma_wait3A_427 = tpu.memref_slice %arg11[%dma_wait3A_425, %dma_wait3A_426] : memref<1664x32xf32, #tpu.memory_space<vmem>> -> memref<416x32xf32, #tpu.memory_space<vmem>>
    %dma_wait3A_428 = arith.constant 0 : i32
    %dma_wait3A_429 = tpu.memref_slice %arg9[%dma_wait3A_428] : memref<1664xi32, #tpu.memory_space<vmem>> -> memref<416xi32, #tpu.memory_space<vmem>>
    %dma_wait3A_430 = arith.constant 0 : i32
    %dma_wait3A_431 = arith.constant 0 : i32
    %dma_wait3A_432 = tpu.memref_slice %arg3[%dma_wait3A_430, %dma_wait3A_431] : memref<2600000x32xf32, #tpu.memory_space<hbm>> -> memref<2600000x32xf32, #tpu.memory_space<hbm>>
    tpu.wait_indirect_dma semaphore(%arg13 : memref<!tpu.dma_semaphore, #tpu.memory_space<semaphore_mem>>) src(%dma_wait3A_432 : memref<2600000x32xf32, #tpu.memory_space<hbm>>) dst(%dma_wait3A_427 : memref<416x32xf32, #tpu.memory_space<vmem>>)
    %dma_wait3A_433 = arith.constant 416 : i32
    %dma_wait3A_434 = arith.constant 0 : i32
    %dma_wait3A_435 = tpu.memref_slice %arg11[%dma_wait3A_433, %dma_wait3A_434] : memref<1664x32xf32, #tpu.memory_space<vmem>> -> memref<416x32xf32, #tpu.memory_space<vmem>>
    %dma_wait3A_436 = arith.constant 416 : i32
    %dma_wait3A_437 = tpu.memref_slice %arg9[%dma_wait3A_436] : memref<1664xi32, #tpu.memory_space<vmem>> -> memref<416xi32, #tpu.memory_space<vmem>>
    %dma_wait3A_438 = arith.constant 0 : i32
    %dma_wait3A_439 = arith.constant 0 : i32
    %dma_wait3A_440 = tpu.memref_slice %arg3[%dma_wait3A_438, %dma_wait3A_439] : memref<2600000x32xf32, #tpu.memory_space<hbm>> -> memref<2600000x32xf32, #tpu.memory_space<hbm>>
    tpu.wait_indirect_dma semaphore(%arg14 : memref<!tpu.dma_semaphore, #tpu.memory_space<semaphore_mem>>) src(%dma_wait3A_440 : memref<2600000x32xf32, #tpu.memory_space<hbm>>) dst(%dma_wait3A_435 : memref<416x32xf32, #tpu.memory_space<vmem>>)
    %dma_wait3A_441 = arith.constant 832 : i32
    %dma_wait3A_442 = arith.constant 0 : i32
    %dma_wait3A_443 = tpu.memref_slice %arg11[%dma_wait3A_441, %dma_wait3A_442] : memref<1664x32xf32, #tpu.memory_space<vmem>> -> memref<416x32xf32, #tpu.memory_space<vmem>>
    %dma_wait3A_444 = arith.constant 832 : i32
    %dma_wait3A_445 = tpu.memref_slice %arg9[%dma_wait3A_444] : memref<1664xi32, #tpu.memory_space<vmem>> -> memref<416xi32, #tpu.memory_space<vmem>>
    %dma_wait3A_446 = arith.constant 0 : i32
    %dma_wait3A_447 = arith.constant 0 : i32
    %dma_wait3A_448 = tpu.memref_slice %arg3[%dma_wait3A_446, %dma_wait3A_447] : memref<2600000x32xf32, #tpu.memory_space<hbm>> -> memref<2600000x32xf32, #tpu.memory_space<hbm>>
    tpu.wait_indirect_dma semaphore(%arg15 : memref<!tpu.dma_semaphore, #tpu.memory_space<semaphore_mem>>) src(%dma_wait3A_448 : memref<2600000x32xf32, #tpu.memory_space<hbm>>) dst(%dma_wait3A_443 : memref<416x32xf32, #tpu.memory_space<vmem>>)
    %dma_wait3A_449 = arith.constant 1248 : i32
    %dma_wait3A_450 = arith.constant 0 : i32
    %dma_wait3A_451 = tpu.memref_slice %arg11[%dma_wait3A_449, %dma_wait3A_450] : memref<1664x32xf32, #tpu.memory_space<vmem>> -> memref<416x32xf32, #tpu.memory_space<vmem>>
    %dma_wait3A_452 = arith.constant 1248 : i32
    %dma_wait3A_453 = tpu.memref_slice %arg9[%dma_wait3A_452] : memref<1664xi32, #tpu.memory_space<vmem>> -> memref<416xi32, #tpu.memory_space<vmem>>
    %dma_wait3A_454 = arith.constant 0 : i32
    %dma_wait3A_455 = arith.constant 0 : i32
    %dma_wait3A_456 = tpu.memref_slice %arg3[%dma_wait3A_454, %dma_wait3A_455] : memref<2600000x32xf32, #tpu.memory_space<hbm>> -> memref<2600000x32xf32, #tpu.memory_space<hbm>>
    tpu.wait_indirect_dma semaphore(%arg16 : memref<!tpu.dma_semaphore, #tpu.memory_space<semaphore_mem>>) src(%dma_wait3A_456 : memref<2600000x32xf32, #tpu.memory_space<hbm>>) dst(%dma_wait3A_451 : memref<416x32xf32, #tpu.memory_space<vmem>>)
    %add3A_457 = arith.constant 256 : i32
    %add3A_458 = arith.addi %mul3A_2, %add3A_457 : i32
    %mul3A_459 = arith.constant 26 : i32
    %mul3A_460 = arith.muli %add3A_458, %mul3A_459 : i32
    %dma_start3A_461 = arith.constant 0 : i32
    %dma_start3A_462 = tpu.memref_slice %arg4[%mul3A_460, %dma_start3A_461] : memref<425984x32xf32, #tpu.memory_space<hbm>> -> memref<1664x32xf32, #tpu.memory_space<hbm>>
    %dma_start3A_463 = arith.constant 0 : i32
    %dma_start3A_464 = tpu.memref_slice %arg4[%mul3A_460, %dma_start3A_463] : memref<425984x32xf32, #tpu.memory_space<hbm>> -> memref<1664x32xf32, #tpu.memory_space<hbm>>
    tpu.enqueue_dma source(%arg11 : memref<1664x32xf32, #tpu.memory_space<vmem>>) target(%dma_start3A_464 : memref<1664x32xf32, #tpu.memory_space<hbm>>) target_semaphore(%arg21 : memref<!tpu.dma_semaphore, #tpu.memory_space<semaphore_mem>>)
    %dma_wait3A_465 = arith.constant 0 : i32
    %dma_wait3A_466 = tpu.memref_slice %arg4[%mul3A_460, %dma_wait3A_465] : memref<425984x32xf32, #tpu.memory_space<hbm>> -> memref<1664x32xf32, #tpu.memory_space<hbm>>
    %dma_wait3A_467 = arith.constant 0 : i32
    %dma_wait3A_468 = tpu.memref_slice %arg4[%mul3A_460, %dma_wait3A_467] : memref<425984x32xf32, #tpu.memory_space<hbm>> -> memref<1664x32xf32, #tpu.memory_space<hbm>>
    tpu.wait_dma2 semaphore(%arg21 : memref<!tpu.dma_semaphore, #tpu.memory_space<semaphore_mem>>) src(%arg11 : memref<1664x32xf32, #tpu.memory_space<vmem>>) dst(%dma_wait3A_468 : memref<1664x32xf32, #tpu.memory_space<hbm>>)
    %add3A_469 = arith.constant 384 : i32
    %add3A_470 = arith.addi %mul3A_2, %add3A_469 : i32
    "tpu.region"() ({
      %run_scoped3A = tpu.sem_alloc : memref<!tpu.dma_semaphore, #tpu.memory_space<semaphore_mem>>
      %dma_start3A_681 = arith.constant 0 : i32
      %dma_start3A_682 = tpu.memref_slice %arg2[%add3A_470, %dma_start3A_681] : memref<16384x26xi32, #tpu.memory_space<hbm>> -> memref<64x26xi32, #tpu.memory_space<hbm>>
      %dma_start3A_683 = arith.constant 0 : i32
      %dma_start3A_684 = tpu.memref_slice %arg2[%add3A_470, %dma_start3A_683] : memref<16384x26xi32, #tpu.memory_space<hbm>> -> memref<64x26xi32, #tpu.memory_space<hbm>>
      tpu.enqueue_dma source(%dma_start3A_684 : memref<64x26xi32, #tpu.memory_space<hbm>>) target(%arg5 : memref<64x26xi32, #tpu.memory_space<vmem>>) target_semaphore(%run_scoped3A : memref<!tpu.dma_semaphore, #tpu.memory_space<semaphore_mem>>)
      %dma_wait3A_685 = arith.constant 0 : i32
      %dma_wait3A_686 = tpu.memref_slice %arg2[%add3A_470, %dma_wait3A_685] : memref<16384x26xi32, #tpu.memory_space<hbm>> -> memref<64x26xi32, #tpu.memory_space<hbm>>
      %dma_wait3A_687 = arith.constant 0 : i32
      %dma_wait3A_688 = tpu.memref_slice %arg2[%add3A_470, %dma_wait3A_687] : memref<16384x26xi32, #tpu.memory_space<hbm>> -> memref<64x26xi32, #tpu.memory_space<hbm>>
      tpu.wait_dma2 semaphore(%run_scoped3A : memref<!tpu.dma_semaphore, #tpu.memory_space<semaphore_mem>>) src(%dma_wait3A_688 : memref<64x26xi32, #tpu.memory_space<hbm>>) dst(%arg5 : memref<64x26xi32, #tpu.memory_space<vmem>>)
      tpu.yield
    }) : () -> ()
    %scan3A_471 = arith.constant 0 : i32
    %scan3A_472 = arith.constant 0 : i32
    %scan3A_473 = arith.constant 104 : i32
    %scan3A_474 = arith.addi %scan3A_472, %scan3A_473 : i32
    %scan3A_475 = arith.constant 1 : i32
    scf.for %scan3A_681 = %scan3A_472 to %scan3A_474 step %scan3A_475  : i32 {
      %mul3A_682 = arith.constant 16 : i32
      %mul3A_683 = arith.muli %scan3A_681, %mul3A_682 : i32
      %get3A = arith.index_cast %mul3A_683 : i32 to index
      %get3A_684 = tpu.vector_load %arg6[%get3A] {strides = array<i32>} : memref<1664xi32, #tpu.memory_space<vmem>>, vector<16xi32>,
      %get3A_685 = arith.index_cast %mul3A_683 : i32 to index
      %get3A_686 = tpu.vector_load %arg7[%get3A_685] {strides = array<i32>} : memref<1664xi32, #tpu.memory_space<vmem>>, vector<16xi32>,
      %gather3A = tpu.vector_load_idx %arg5[%get3A_684, %get3A_686] : memref<64x26xi32, #tpu.memory_space<vmem>>[vector<16xi32>, vector<16xi32>], vector<16xi32>,
      %get3A_687 = arith.index_cast %mul3A_683 : i32 to index
      %get3A_688 = tpu.vector_load %arg8[%get3A_687] {strides = array<i32>} : memref<1664xi32, #tpu.memory_space<vmem>>, vector<16xi32>,
      %add3A_689 = arith.addi %gather3A, %get3A_688 : vector<16xi32>
      %swap3A = arith.index_cast %mul3A_683 : i32 to index
      %swap3A_690 = tpu.vector_load %arg9[%swap3A] {strides = array<i32>} : memref<1664xi32, #tpu.memory_space<vmem>>, vector<16xi32>,
      tpu.vector_store %arg9[%swap3A], %add3A_689 {strides = array<i32>} : memref<1664xi32, #tpu.memory_space<vmem>>, vector<16xi32>,
    }
    %scan3A_476 = arith.constant 104 : i32
    %dma_start3A_477 = arith.constant 0 : i32
    %dma_start3A_478 = arith.constant 0 : i32
    %dma_start3A_479 = tpu.memref_slice %arg11[%dma_start3A_477, %dma_start3A_478] : memref<1664x32xf32, #tpu.memory_space<vmem>> -> memref<416x32xf32, #tpu.memory_space<vmem>>
    %dma_start3A_480 = arith.constant 0 : i32
    %dma_start3A_481 = tpu.memref_slice %arg9[%dma_start3A_480] : memref<1664xi32, #tpu.memory_space<vmem>> -> memref<416xi32, #tpu.memory_space<vmem>>
    %dma_start3A_482 = arith.constant 0 : i32
    %dma_start3A_483 = arith.constant 0 : i32
    %dma_start3A_484 = tpu.memref_slice %arg3[%dma_start3A_482, %dma_start3A_483] : memref<2600000x32xf32, #tpu.memory_space<hbm>> -> memref<2600000x32xf32, #tpu.memory_space<hbm>>
    tpu.enqueue_indirect_dma source(%dma_start3A_484 : memref<2600000x32xf32, #tpu.memory_space<hbm>>) target(%dma_start3A_479 : memref<416x32xf32, #tpu.memory_space<vmem>>) offsets(%dma_start3A_481 : memref<416xi32, #tpu.memory_space<vmem>>) semaphore(%arg13 : memref<!tpu.dma_semaphore, #tpu.memory_space<semaphore_mem>>)
    %dma_start3A_485 = arith.constant 416 : i32
    %dma_start3A_486 = arith.constant 0 : i32
    %dma_start3A_487 = tpu.memref_slice %arg11[%dma_start3A_485, %dma_start3A_486] : memref<1664x32xf32, #tpu.memory_space<vmem>> -> memref<416x32xf32, #tpu.memory_space<vmem>>
    %dma_start3A_488 = arith.constant 416 : i32
    %dma_start3A_489 = tpu.memref_slice %arg9[%dma_start3A_488] : memref<1664xi32, #tpu.memory_space<vmem>> -> memref<416xi32, #tpu.memory_space<vmem>>
    %dma_start3A_490 = arith.constant 0 : i32
    %dma_start3A_491 = arith.constant 0 : i32
    %dma_start3A_492 = tpu.memref_slice %arg3[%dma_start3A_490, %dma_start3A_491] : memref<2600000x32xf32, #tpu.memory_space<hbm>> -> memref<2600000x32xf32, #tpu.memory_space<hbm>>
    tpu.enqueue_indirect_dma source(%dma_start3A_492 : memref<2600000x32xf32, #tpu.memory_space<hbm>>) target(%dma_start3A_487 : memref<416x32xf32, #tpu.memory_space<vmem>>) offsets(%dma_start3A_489 : memref<416xi32, #tpu.memory_space<vmem>>) semaphore(%arg14 : memref<!tpu.dma_semaphore, #tpu.memory_space<semaphore_mem>>)
    %dma_start3A_493 = arith.constant 832 : i32
    %dma_start3A_494 = arith.constant 0 : i32
    %dma_start3A_495 = tpu.memref_slice %arg11[%dma_start3A_493, %dma_start3A_494] : memref<1664x32xf32, #tpu.memory_space<vmem>> -> memref<416x32xf32, #tpu.memory_space<vmem>>
    %dma_start3A_496 = arith.constant 832 : i32
    %dma_start3A_497 = tpu.memref_slice %arg9[%dma_start3A_496] : memref<1664xi32, #tpu.memory_space<vmem>> -> memref<416xi32, #tpu.memory_space<vmem>>
    %dma_start3A_498 = arith.constant 0 : i32
    %dma_start3A_499 = arith.constant 0 : i32
    %dma_start3A_500 = tpu.memref_slice %arg3[%dma_start3A_498, %dma_start3A_499] : memref<2600000x32xf32, #tpu.memory_space<hbm>> -> memref<2600000x32xf32, #tpu.memory_space<hbm>>
    tpu.enqueue_indirect_dma source(%dma_start3A_500 : memref<2600000x32xf32, #tpu.memory_space<hbm>>) target(%dma_start3A_495 : memref<416x32xf32, #tpu.memory_space<vmem>>) offsets(%dma_start3A_497 : memref<416xi32, #tpu.memory_space<vmem>>) semaphore(%arg15 : memref<!tpu.dma_semaphore, #tpu.memory_space<semaphore_mem>>)
    %dma_start3A_501 = arith.constant 1248 : i32
    %dma_start3A_502 = arith.constant 0 : i32
    %dma_start3A_503 = tpu.memref_slice %arg11[%dma_start3A_501, %dma_start3A_502] : memref<1664x32xf32, #tpu.memory_space<vmem>> -> memref<416x32xf32, #tpu.memory_space<vmem>>
    %dma_start3A_504 = arith.constant 1248 : i32
    %dma_start3A_505 = tpu.memref_slice %arg9[%dma_start3A_504] : memref<1664xi32, #tpu.memory_space<vmem>> -> memref<416xi32, #tpu.memory_space<vmem>>
    %dma_start3A_506 = arith.constant 0 : i32
    %dma_start3A_507 = arith.constant 0 : i32
    %dma_start3A_508 = tpu.memref_slice %arg3[%dma_start3A_506, %dma_start3A_507] : memref<2600000x32xf32, #tpu.memory_space<hbm>> -> memref<2600000x32xf32, #tpu.memory_space<hbm>>
    tpu.enqueue_indirect_dma source(%dma_start3A_508 : memref<2600000x32xf32, #tpu.memory_space<hbm>>) target(%dma_start3A_503 : memref<416x32xf32, #tpu.memory_space<vmem>>) offsets(%dma_start3A_505 : memref<416xi32, #tpu.memory_space<vmem>>) semaphore(%arg16 : memref<!tpu.dma_semaphore, #tpu.memory_space<semaphore_mem>>)
    %dma_wait3A_509 = arith.constant 0 : i32
    %dma_wait3A_510 = arith.constant 0 : i32
    %dma_wait3A_511 = tpu.memref_slice %arg12[%dma_wait3A_509, %dma_wait3A_510] : memref<1664x32xf32, #tpu.memory_space<vmem>> -> memref<416x32xf32, #tpu.memory_space<vmem>>
    %dma_wait3A_512 = arith.constant 0 : i32
    %dma_wait3A_513 = tpu.memref_slice %arg10[%dma_wait3A_512] : memref<1664xi32, #tpu.memory_space<vmem>> -> memref<416xi32, #tpu.memory_space<vmem>>
    %dma_wait3A_514 = arith.constant 0 : i32
    %dma_wait3A_515 = arith.constant 0 : i32
    %dma_wait3A_516 = tpu.memref_slice %arg3[%dma_wait3A_514, %dma_wait3A_515] : memref<2600000x32xf32, #tpu.memory_space<hbm>> -> memref<2600000x32xf32, #tpu.memory_space<hbm>>
    tpu.wait_indirect_dma semaphore(%arg17 : memref<!tpu.dma_semaphore, #tpu.memory_space<semaphore_mem>>) src(%dma_wait3A_516 : memref<2600000x32xf32, #tpu.memory_space<hbm>>) dst(%dma_wait3A_511 : memref<416x32xf32, #tpu.memory_space<vmem>>)
    %dma_wait3A_517 = arith.constant 416 : i32
    %dma_wait3A_518 = arith.constant 0 : i32
    %dma_wait3A_519 = tpu.memref_slice %arg12[%dma_wait3A_517, %dma_wait3A_518] : memref<1664x32xf32, #tpu.memory_space<vmem>> -> memref<416x32xf32, #tpu.memory_space<vmem>>
    %dma_wait3A_520 = arith.constant 416 : i32
    %dma_wait3A_521 = tpu.memref_slice %arg10[%dma_wait3A_520] : memref<1664xi32, #tpu.memory_space<vmem>> -> memref<416xi32, #tpu.memory_space<vmem>>
    %dma_wait3A_522 = arith.constant 0 : i32
    %dma_wait3A_523 = arith.constant 0 : i32
    %dma_wait3A_524 = tpu.memref_slice %arg3[%dma_wait3A_522, %dma_wait3A_523] : memref<2600000x32xf32, #tpu.memory_space<hbm>> -> memref<2600000x32xf32, #tpu.memory_space<hbm>>
    tpu.wait_indirect_dma semaphore(%arg18 : memref<!tpu.dma_semaphore, #tpu.memory_space<semaphore_mem>>) src(%dma_wait3A_524 : memref<2600000x32xf32, #tpu.memory_space<hbm>>) dst(%dma_wait3A_519 : memref<416x32xf32, #tpu.memory_space<vmem>>)
    %dma_wait3A_525 = arith.constant 832 : i32
    %dma_wait3A_526 = arith.constant 0 : i32
    %dma_wait3A_527 = tpu.memref_slice %arg12[%dma_wait3A_525, %dma_wait3A_526] : memref<1664x32xf32, #tpu.memory_space<vmem>> -> memref<416x32xf32, #tpu.memory_space<vmem>>
    %dma_wait3A_528 = arith.constant 832 : i32
    %dma_wait3A_529 = tpu.memref_slice %arg10[%dma_wait3A_528] : memref<1664xi32, #tpu.memory_space<vmem>> -> memref<416xi32, #tpu.memory_space<vmem>>
    %dma_wait3A_530 = arith.constant 0 : i32
    %dma_wait3A_531 = arith.constant 0 : i32
    %dma_wait3A_532 = tpu.memref_slice %arg3[%dma_wait3A_530, %dma_wait3A_531] : memref<2600000x32xf32, #tpu.memory_space<hbm>> -> memref<2600000x32xf32, #tpu.memory_space<hbm>>
    tpu.wait_indirect_dma semaphore(%arg19 : memref<!tpu.dma_semaphore, #tpu.memory_space<semaphore_mem>>) src(%dma_wait3A_532 : memref<2600000x32xf32, #tpu.memory_space<hbm>>) dst(%dma_wait3A_527 : memref<416x32xf32, #tpu.memory_space<vmem>>)
    %dma_wait3A_533 = arith.constant 1248 : i32
    %dma_wait3A_534 = arith.constant 0 : i32
    %dma_wait3A_535 = tpu.memref_slice %arg12[%dma_wait3A_533, %dma_wait3A_534] : memref<1664x32xf32, #tpu.memory_space<vmem>> -> memref<416x32xf32, #tpu.memory_space<vmem>>
    %dma_wait3A_536 = arith.constant 1248 : i32
    %dma_wait3A_537 = tpu.memref_slice %arg10[%dma_wait3A_536] : memref<1664xi32, #tpu.memory_space<vmem>> -> memref<416xi32, #tpu.memory_space<vmem>>
    %dma_wait3A_538 = arith.constant 0 : i32
    %dma_wait3A_539 = arith.constant 0 : i32
    %dma_wait3A_540 = tpu.memref_slice %arg3[%dma_wait3A_538, %dma_wait3A_539] : memref<2600000x32xf32, #tpu.memory_space<hbm>> -> memref<2600000x32xf32, #tpu.memory_space<hbm>>
    tpu.wait_indirect_dma semaphore(%arg20 : memref<!tpu.dma_semaphore, #tpu.memory_space<semaphore_mem>>) src(%dma_wait3A_540 : memref<2600000x32xf32, #tpu.memory_space<hbm>>) dst(%dma_wait3A_535 : memref<416x32xf32, #tpu.memory_space<vmem>>)
    %add3A_541 = arith.constant 320 : i32
    %add3A_542 = arith.addi %mul3A_2, %add3A_541 : i32
    %mul3A_543 = arith.constant 26 : i32
    %mul3A_544 = arith.muli %add3A_542, %mul3A_543 : i32
    %dma_start3A_545 = arith.constant 0 : i32
    %dma_start3A_546 = tpu.memref_slice %arg4[%mul3A_544, %dma_start3A_545] : memref<425984x32xf32, #tpu.memory_space<hbm>> -> memref<1664x32xf32, #tpu.memory_space<hbm>>
    %dma_start3A_547 = arith.constant 0 : i32
    %dma_start3A_548 = tpu.memref_slice %arg4[%mul3A_544, %dma_start3A_547] : memref<425984x32xf32, #tpu.memory_space<hbm>> -> memref<1664x32xf32, #tpu.memory_space<hbm>>
    tpu.enqueue_dma source(%arg12 : memref<1664x32xf32, #tpu.memory_space<vmem>>) target(%dma_start3A_548 : memref<1664x32xf32, #tpu.memory_space<hbm>>) target_semaphore(%arg22 : memref<!tpu.dma_semaphore, #tpu.memory_space<semaphore_mem>>)
    %dma_wait3A_549 = arith.constant 0 : i32
    %dma_wait3A_550 = tpu.memref_slice %arg4[%mul3A_544, %dma_wait3A_549] : memref<425984x32xf32, #tpu.memory_space<hbm>> -> memref<1664x32xf32, #tpu.memory_space<hbm>>
    %dma_wait3A_551 = arith.constant 0 : i32
    %dma_wait3A_552 = tpu.memref_slice %arg4[%mul3A_544, %dma_wait3A_551] : memref<425984x32xf32, #tpu.memory_space<hbm>> -> memref<1664x32xf32, #tpu.memory_space<hbm>>
    tpu.wait_dma2 semaphore(%arg22 : memref<!tpu.dma_semaphore, #tpu.memory_space<semaphore_mem>>) src(%arg12 : memref<1664x32xf32, #tpu.memory_space<vmem>>) dst(%dma_wait3A_552 : memref<1664x32xf32, #tpu.memory_space<hbm>>)
    %add3A_553 = arith.constant 448 : i32
    %add3A_554 = arith.addi %mul3A_2, %add3A_553 : i32
    "tpu.region"() ({
      %run_scoped3A = tpu.sem_alloc : memref<!tpu.dma_semaphore, #tpu.memory_space<semaphore_mem>>
      %dma_start3A_681 = arith.constant 0 : i32
      %dma_start3A_682 = tpu.memref_slice %arg2[%add3A_554, %dma_start3A_681] : memref<16384x26xi32, #tpu.memory_space<hbm>> -> memref<64x26xi32, #tpu.memory_space<hbm>>
      %dma_start3A_683 = arith.constant 0 : i32
      %dma_start3A_684 = tpu.memref_slice %arg2[%add3A_554, %dma_start3A_683] : memref<16384x26xi32, #tpu.memory_space<hbm>> -> memref<64x26xi32, #tpu.memory_space<hbm>>
      tpu.enqueue_dma source(%dma_start3A_684 : memref<64x26xi32, #tpu.memory_space<hbm>>) target(%arg5 : memref<64x26xi32, #tpu.memory_space<vmem>>) target_semaphore(%run_scoped3A : memref<!tpu.dma_semaphore, #tpu.memory_space<semaphore_mem>>)
      %dma_wait3A_685 = arith.constant 0 : i32
      %dma_wait3A_686 = tpu.memref_slice %arg2[%add3A_554, %dma_wait3A_685] : memref<16384x26xi32, #tpu.memory_space<hbm>> -> memref<64x26xi32, #tpu.memory_space<hbm>>
      %dma_wait3A_687 = arith.constant 0 : i32
      %dma_wait3A_688 = tpu.memref_slice %arg2[%add3A_554, %dma_wait3A_687] : memref<16384x26xi32, #tpu.memory_space<hbm>> -> memref<64x26xi32, #tpu.memory_space<hbm>>
      tpu.wait_dma2 semaphore(%run_scoped3A : memref<!tpu.dma_semaphore, #tpu.memory_space<semaphore_mem>>) src(%dma_wait3A_688 : memref<64x26xi32, #tpu.memory_space<hbm>>) dst(%arg5 : memref<64x26xi32, #tpu.memory_space<vmem>>)
      tpu.yield
    }) : () -> ()
    %scan3A_555 = arith.constant 0 : i32
    %scan3A_556 = arith.constant 0 : i32
    %scan3A_557 = arith.constant 104 : i32
    %scan3A_558 = arith.addi %scan3A_556, %scan3A_557 : i32
    %scan3A_559 = arith.constant 1 : i32
    scf.for %scan3A_681 = %scan3A_556 to %scan3A_558 step %scan3A_559  : i32 {
      %mul3A_682 = arith.constant 16 : i32
      %mul3A_683 = arith.muli %scan3A_681, %mul3A_682 : i32
      %get3A = arith.index_cast %mul3A_683 : i32 to index
      %get3A_684 = tpu.vector_load %arg6[%get3A] {strides = array<i32>} : memref<1664xi32, #tpu.memory_space<vmem>>, vector<16xi32>,
      %get3A_685 = arith.index_cast %mul3A_683 : i32 to index
      %get3A_686 = tpu.vector_load %arg7[%get3A_685] {strides = array<i32>} : memref<1664xi32, #tpu.memory_space<vmem>>, vector<16xi32>,
      %gather3A = tpu.vector_load_idx %arg5[%get3A_684, %get3A_686] : memref<64x26xi32, #tpu.memory_space<vmem>>[vector<16xi32>, vector<16xi32>], vector<16xi32>,
      %get3A_687 = arith.index_cast %mul3A_683 : i32 to index
      %get3A_688 = tpu.vector_load %arg8[%get3A_687] {strides = array<i32>} : memref<1664xi32, #tpu.memory_space<vmem>>, vector<16xi32>,
      %add3A_689 = arith.addi %gather3A, %get3A_688 : vector<16xi32>
      %swap3A = arith.index_cast %mul3A_683 : i32 to index
      %swap3A_690 = tpu.vector_load %arg10[%swap3A] {strides = array<i32>} : memref<1664xi32, #tpu.memory_space<vmem>>, vector<16xi32>,
      tpu.vector_store %arg10[%swap3A], %add3A_689 {strides = array<i32>} : memref<1664xi32, #tpu.memory_space<vmem>>, vector<16xi32>,
    }
    %scan3A_560 = arith.constant 104 : i32
    %dma_start3A_561 = arith.constant 0 : i32
    %dma_start3A_562 = arith.constant 0 : i32
    %dma_start3A_563 = tpu.memref_slice %arg12[%dma_start3A_561, %dma_start3A_562] : memref<1664x32xf32, #tpu.memory_space<vmem>> -> memref<416x32xf32, #tpu.memory_space<vmem>>
    %dma_start3A_564 = arith.constant 0 : i32
    %dma_start3A_565 = tpu.memref_slice %arg10[%dma_start3A_564] : memref<1664xi32, #tpu.memory_space<vmem>> -> memref<416xi32, #tpu.memory_space<vmem>>
    %dma_start3A_566 = arith.constant 0 : i32
    %dma_start3A_567 = arith.constant 0 : i32
    %dma_start3A_568 = tpu.memref_slice %arg3[%dma_start3A_566, %dma_start3A_567] : memref<2600000x32xf32, #tpu.memory_space<hbm>> -> memref<2600000x32xf32, #tpu.memory_space<hbm>>
    tpu.enqueue_indirect_dma source(%dma_start3A_568 : memref<2600000x32xf32, #tpu.memory_space<hbm>>) target(%dma_start3A_563 : memref<416x32xf32, #tpu.memory_space<vmem>>) offsets(%dma_start3A_565 : memref<416xi32, #tpu.memory_space<vmem>>) semaphore(%arg17 : memref<!tpu.dma_semaphore, #tpu.memory_space<semaphore_mem>>)
    %dma_start3A_569 = arith.constant 416 : i32
    %dma_start3A_570 = arith.constant 0 : i32
    %dma_start3A_571 = tpu.memref_slice %arg12[%dma_start3A_569, %dma_start3A_570] : memref<1664x32xf32, #tpu.memory_space<vmem>> -> memref<416x32xf32, #tpu.memory_space<vmem>>
    %dma_start3A_572 = arith.constant 416 : i32
    %dma_start3A_573 = tpu.memref_slice %arg10[%dma_start3A_572] : memref<1664xi32, #tpu.memory_space<vmem>> -> memref<416xi32, #tpu.memory_space<vmem>>
    %dma_start3A_574 = arith.constant 0 : i32
    %dma_start3A_575 = arith.constant 0 : i32
    %dma_start3A_576 = tpu.memref_slice %arg3[%dma_start3A_574, %dma_start3A_575] : memref<2600000x32xf32, #tpu.memory_space<hbm>> -> memref<2600000x32xf32, #tpu.memory_space<hbm>>
    tpu.enqueue_indirect_dma source(%dma_start3A_576 : memref<2600000x32xf32, #tpu.memory_space<hbm>>) target(%dma_start3A_571 : memref<416x32xf32, #tpu.memory_space<vmem>>) offsets(%dma_start3A_573 : memref<416xi32, #tpu.memory_space<vmem>>) semaphore(%arg18 : memref<!tpu.dma_semaphore, #tpu.memory_space<semaphore_mem>>)
    %dma_start3A_577 = arith.constant 832 : i32
    %dma_start3A_578 = arith.constant 0 : i32
    %dma_start3A_579 = tpu.memref_slice %arg12[%dma_start3A_577, %dma_start3A_578] : memref<1664x32xf32, #tpu.memory_space<vmem>> -> memref<416x32xf32, #tpu.memory_space<vmem>>
    %dma_start3A_580 = arith.constant 832 : i32
    %dma_start3A_581 = tpu.memref_slice %arg10[%dma_start3A_580] : memref<1664xi32, #tpu.memory_space<vmem>> -> memref<416xi32, #tpu.memory_space<vmem>>
    %dma_start3A_582 = arith.constant 0 : i32
    %dma_start3A_583 = arith.constant 0 : i32
    %dma_start3A_584 = tpu.memref_slice %arg3[%dma_start3A_582, %dma_start3A_583] : memref<2600000x32xf32, #tpu.memory_space<hbm>> -> memref<2600000x32xf32, #tpu.memory_space<hbm>>
    tpu.enqueue_indirect_dma source(%dma_start3A_584 : memref<2600000x32xf32, #tpu.memory_space<hbm>>) target(%dma_start3A_579 : memref<416x32xf32, #tpu.memory_space<vmem>>) offsets(%dma_start3A_581 : memref<416xi32, #tpu.memory_space<vmem>>) semaphore(%arg19 : memref<!tpu.dma_semaphore, #tpu.memory_space<semaphore_mem>>)
    %dma_start3A_585 = arith.constant 1248 : i32
    %dma_start3A_586 = arith.constant 0 : i32
    %dma_start3A_587 = tpu.memref_slice %arg12[%dma_start3A_585, %dma_start3A_586] : memref<1664x32xf32, #tpu.memory_space<vmem>> -> memref<416x32xf32, #tpu.memory_space<vmem>>
    %dma_start3A_588 = arith.constant 1248 : i32
    %dma_start3A_589 = tpu.memref_slice %arg10[%dma_start3A_588] : memref<1664xi32, #tpu.memory_space<vmem>> -> memref<416xi32, #tpu.memory_space<vmem>>
    %dma_start3A_590 = arith.constant 0 : i32
    %dma_start3A_591 = arith.constant 0 : i32
    %dma_start3A_592 = tpu.memref_slice %arg3[%dma_start3A_590, %dma_start3A_591] : memref<2600000x32xf32, #tpu.memory_space<hbm>> -> memref<2600000x32xf32, #tpu.memory_space<hbm>>
    tpu.enqueue_indirect_dma source(%dma_start3A_592 : memref<2600000x32xf32, #tpu.memory_space<hbm>>) target(%dma_start3A_587 : memref<416x32xf32, #tpu.memory_space<vmem>>) offsets(%dma_start3A_589 : memref<416xi32, #tpu.memory_space<vmem>>) semaphore(%arg20 : memref<!tpu.dma_semaphore, #tpu.memory_space<semaphore_mem>>)
    %dma_wait3A_593 = arith.constant 0 : i32
    %dma_wait3A_594 = arith.constant 0 : i32
    %dma_wait3A_595 = tpu.memref_slice %arg11[%dma_wait3A_593, %dma_wait3A_594] : memref<1664x32xf32, #tpu.memory_space<vmem>> -> memref<416x32xf32, #tpu.memory_space<vmem>>
    %dma_wait3A_596 = arith.constant 0 : i32
    %dma_wait3A_597 = tpu.memref_slice %arg9[%dma_wait3A_596] : memref<1664xi32, #tpu.memory_space<vmem>> -> memref<416xi32, #tpu.memory_space<vmem>>
    %dma_wait3A_598 = arith.constant 0 : i32
    %dma_wait3A_599 = arith.constant 0 : i32
    %dma_wait3A_600 = tpu.memref_slice %arg3[%dma_wait3A_598, %dma_wait3A_599] : memref<2600000x32xf32, #tpu.memory_space<hbm>> -> memref<2600000x32xf32, #tpu.memory_space<hbm>>
    tpu.wait_indirect_dma semaphore(%arg13 : memref<!tpu.dma_semaphore, #tpu.memory_space<semaphore_mem>>) src(%dma_wait3A_600 : memref<2600000x32xf32, #tpu.memory_space<hbm>>) dst(%dma_wait3A_595 : memref<416x32xf32, #tpu.memory_space<vmem>>)
    %dma_wait3A_601 = arith.constant 416 : i32
    %dma_wait3A_602 = arith.constant 0 : i32
    %dma_wait3A_603 = tpu.memref_slice %arg11[%dma_wait3A_601, %dma_wait3A_602] : memref<1664x32xf32, #tpu.memory_space<vmem>> -> memref<416x32xf32, #tpu.memory_space<vmem>>
    %dma_wait3A_604 = arith.constant 416 : i32
    %dma_wait3A_605 = tpu.memref_slice %arg9[%dma_wait3A_604] : memref<1664xi32, #tpu.memory_space<vmem>> -> memref<416xi32, #tpu.memory_space<vmem>>
    %dma_wait3A_606 = arith.constant 0 : i32
    %dma_wait3A_607 = arith.constant 0 : i32
    %dma_wait3A_608 = tpu.memref_slice %arg3[%dma_wait3A_606, %dma_wait3A_607] : memref<2600000x32xf32, #tpu.memory_space<hbm>> -> memref<2600000x32xf32, #tpu.memory_space<hbm>>
    tpu.wait_indirect_dma semaphore(%arg14 : memref<!tpu.dma_semaphore, #tpu.memory_space<semaphore_mem>>) src(%dma_wait3A_608 : memref<2600000x32xf32, #tpu.memory_space<hbm>>) dst(%dma_wait3A_603 : memref<416x32xf32, #tpu.memory_space<vmem>>)
    %dma_wait3A_609 = arith.constant 832 : i32
    %dma_wait3A_610 = arith.constant 0 : i32
    %dma_wait3A_611 = tpu.memref_slice %arg11[%dma_wait3A_609, %dma_wait3A_610] : memref<1664x32xf32, #tpu.memory_space<vmem>> -> memref<416x32xf32, #tpu.memory_space<vmem>>
    %dma_wait3A_612 = arith.constant 832 : i32
    %dma_wait3A_613 = tpu.memref_slice %arg9[%dma_wait3A_612] : memref<1664xi32, #tpu.memory_space<vmem>> -> memref<416xi32, #tpu.memory_space<vmem>>
    %dma_wait3A_614 = arith.constant 0 : i32
    %dma_wait3A_615 = arith.constant 0 : i32
    %dma_wait3A_616 = tpu.memref_slice %arg3[%dma_wait3A_614, %dma_wait3A_615] : memref<2600000x32xf32, #tpu.memory_space<hbm>> -> memref<2600000x32xf32, #tpu.memory_space<hbm>>
    tpu.wait_indirect_dma semaphore(%arg15 : memref<!tpu.dma_semaphore, #tpu.memory_space<semaphore_mem>>) src(%dma_wait3A_616 : memref<2600000x32xf32, #tpu.memory_space<hbm>>) dst(%dma_wait3A_611 : memref<416x32xf32, #tpu.memory_space<vmem>>)
    %dma_wait3A_617 = arith.constant 1248 : i32
    %dma_wait3A_618 = arith.constant 0 : i32
    %dma_wait3A_619 = tpu.memref_slice %arg11[%dma_wait3A_617, %dma_wait3A_618] : memref<1664x32xf32, #tpu.memory_space<vmem>> -> memref<416x32xf32, #tpu.memory_space<vmem>>
    %dma_wait3A_620 = arith.constant 1248 : i32
    %dma_wait3A_621 = tpu.memref_slice %arg9[%dma_wait3A_620] : memref<1664xi32, #tpu.memory_space<vmem>> -> memref<416xi32, #tpu.memory_space<vmem>>
    %dma_wait3A_622 = arith.constant 0 : i32
    %dma_wait3A_623 = arith.constant 0 : i32
    %dma_wait3A_624 = tpu.memref_slice %arg3[%dma_wait3A_622, %dma_wait3A_623] : memref<2600000x32xf32, #tpu.memory_space<hbm>> -> memref<2600000x32xf32, #tpu.memory_space<hbm>>
    tpu.wait_indirect_dma semaphore(%arg16 : memref<!tpu.dma_semaphore, #tpu.memory_space<semaphore_mem>>) src(%dma_wait3A_624 : memref<2600000x32xf32, #tpu.memory_space<hbm>>) dst(%dma_wait3A_619 : memref<416x32xf32, #tpu.memory_space<vmem>>)
    %add3A_625 = arith.constant 384 : i32
    %add3A_626 = arith.addi %mul3A_2, %add3A_625 : i32
    %mul3A_627 = arith.constant 26 : i32
    %mul3A_628 = arith.muli %add3A_626, %mul3A_627 : i32
    %dma_start3A_629 = arith.constant 0 : i32
    %dma_start3A_630 = tpu.memref_slice %arg4[%mul3A_628, %dma_start3A_629] : memref<425984x32xf32, #tpu.memory_space<hbm>> -> memref<1664x32xf32, #tpu.memory_space<hbm>>
    %dma_start3A_631 = arith.constant 0 : i32
    %dma_start3A_632 = tpu.memref_slice %arg4[%mul3A_628, %dma_start3A_631] : memref<425984x32xf32, #tpu.memory_space<hbm>> -> memref<1664x32xf32, #tpu.memory_space<hbm>>
    tpu.enqueue_dma source(%arg11 : memref<1664x32xf32, #tpu.memory_space<vmem>>) target(%dma_start3A_632 : memref<1664x32xf32, #tpu.memory_space<hbm>>) target_semaphore(%arg21 : memref<!tpu.dma_semaphore, #tpu.memory_space<semaphore_mem>>)
    %dma_wait3A_633 = arith.constant 0 : i32
    %dma_wait3A_634 = arith.constant 0 : i32
    %dma_wait3A_635 = tpu.memref_slice %arg12[%dma_wait3A_633, %dma_wait3A_634] : memref<1664x32xf32, #tpu.memory_space<vmem>> -> memref<416x32xf32, #tpu.memory_space<vmem>>
    %dma_wait3A_636 = arith.constant 0 : i32
    %dma_wait3A_637 = tpu.memref_slice %arg10[%dma_wait3A_636] : memref<1664xi32, #tpu.memory_space<vmem>> -> memref<416xi32, #tpu.memory_space<vmem>>
    %dma_wait3A_638 = arith.constant 0 : i32
    %dma_wait3A_639 = arith.constant 0 : i32
    %dma_wait3A_640 = tpu.memref_slice %arg3[%dma_wait3A_638, %dma_wait3A_639] : memref<2600000x32xf32, #tpu.memory_space<hbm>> -> memref<2600000x32xf32, #tpu.memory_space<hbm>>
    tpu.wait_indirect_dma semaphore(%arg17 : memref<!tpu.dma_semaphore, #tpu.memory_space<semaphore_mem>>) src(%dma_wait3A_640 : memref<2600000x32xf32, #tpu.memory_space<hbm>>) dst(%dma_wait3A_635 : memref<416x32xf32, #tpu.memory_space<vmem>>)
    %dma_wait3A_641 = arith.constant 416 : i32
    %dma_wait3A_642 = arith.constant 0 : i32
    %dma_wait3A_643 = tpu.memref_slice %arg12[%dma_wait3A_641, %dma_wait3A_642] : memref<1664x32xf32, #tpu.memory_space<vmem>> -> memref<416x32xf32, #tpu.memory_space<vmem>>
    %dma_wait3A_644 = arith.constant 416 : i32
    %dma_wait3A_645 = tpu.memref_slice %arg10[%dma_wait3A_644] : memref<1664xi32, #tpu.memory_space<vmem>> -> memref<416xi32, #tpu.memory_space<vmem>>
    %dma_wait3A_646 = arith.constant 0 : i32
    %dma_wait3A_647 = arith.constant 0 : i32
    %dma_wait3A_648 = tpu.memref_slice %arg3[%dma_wait3A_646, %dma_wait3A_647] : memref<2600000x32xf32, #tpu.memory_space<hbm>> -> memref<2600000x32xf32, #tpu.memory_space<hbm>>
    tpu.wait_indirect_dma semaphore(%arg18 : memref<!tpu.dma_semaphore, #tpu.memory_space<semaphore_mem>>) src(%dma_wait3A_648 : memref<2600000x32xf32, #tpu.memory_space<hbm>>) dst(%dma_wait3A_643 : memref<416x32xf32, #tpu.memory_space<vmem>>)
    %dma_wait3A_649 = arith.constant 832 : i32
    %dma_wait3A_650 = arith.constant 0 : i32
    %dma_wait3A_651 = tpu.memref_slice %arg12[%dma_wait3A_649, %dma_wait3A_650] : memref<1664x32xf32, #tpu.memory_space<vmem>> -> memref<416x32xf32, #tpu.memory_space<vmem>>
    %dma_wait3A_652 = arith.constant 832 : i32
    %dma_wait3A_653 = tpu.memref_slice %arg10[%dma_wait3A_652] : memref<1664xi32, #tpu.memory_space<vmem>> -> memref<416xi32, #tpu.memory_space<vmem>>
    %dma_wait3A_654 = arith.constant 0 : i32
    %dma_wait3A_655 = arith.constant 0 : i32
    %dma_wait3A_656 = tpu.memref_slice %arg3[%dma_wait3A_654, %dma_wait3A_655] : memref<2600000x32xf32, #tpu.memory_space<hbm>> -> memref<2600000x32xf32, #tpu.memory_space<hbm>>
    tpu.wait_indirect_dma semaphore(%arg19 : memref<!tpu.dma_semaphore, #tpu.memory_space<semaphore_mem>>) src(%dma_wait3A_656 : memref<2600000x32xf32, #tpu.memory_space<hbm>>) dst(%dma_wait3A_651 : memref<416x32xf32, #tpu.memory_space<vmem>>)
    %dma_wait3A_657 = arith.constant 1248 : i32
    %dma_wait3A_658 = arith.constant 0 : i32
    %dma_wait3A_659 = tpu.memref_slice %arg12[%dma_wait3A_657, %dma_wait3A_658] : memref<1664x32xf32, #tpu.memory_space<vmem>> -> memref<416x32xf32, #tpu.memory_space<vmem>>
    %dma_wait3A_660 = arith.constant 1248 : i32
    %dma_wait3A_661 = tpu.memref_slice %arg10[%dma_wait3A_660] : memref<1664xi32, #tpu.memory_space<vmem>> -> memref<416xi32, #tpu.memory_space<vmem>>
    %dma_wait3A_662 = arith.constant 0 : i32
    %dma_wait3A_663 = arith.constant 0 : i32
    %dma_wait3A_664 = tpu.memref_slice %arg3[%dma_wait3A_662, %dma_wait3A_663] : memref<2600000x32xf32, #tpu.memory_space<hbm>> -> memref<2600000x32xf32, #tpu.memory_space<hbm>>
    tpu.wait_indirect_dma semaphore(%arg20 : memref<!tpu.dma_semaphore, #tpu.memory_space<semaphore_mem>>) src(%dma_wait3A_664 : memref<2600000x32xf32, #tpu.memory_space<hbm>>) dst(%dma_wait3A_659 : memref<416x32xf32, #tpu.memory_space<vmem>>)
    %add3A_665 = arith.constant 448 : i32
    %add3A_666 = arith.addi %mul3A_2, %add3A_665 : i32
    %mul3A_667 = arith.constant 26 : i32
    %mul3A_668 = arith.muli %add3A_666, %mul3A_667 : i32
    %dma_start3A_669 = arith.constant 0 : i32
    %dma_start3A_670 = tpu.memref_slice %arg4[%mul3A_668, %dma_start3A_669] : memref<425984x32xf32, #tpu.memory_space<hbm>> -> memref<1664x32xf32, #tpu.memory_space<hbm>>
    %dma_start3A_671 = arith.constant 0 : i32
    %dma_start3A_672 = tpu.memref_slice %arg4[%mul3A_668, %dma_start3A_671] : memref<425984x32xf32, #tpu.memory_space<hbm>> -> memref<1664x32xf32, #tpu.memory_space<hbm>>
    tpu.enqueue_dma source(%arg12 : memref<1664x32xf32, #tpu.memory_space<vmem>>) target(%dma_start3A_672 : memref<1664x32xf32, #tpu.memory_space<hbm>>) target_semaphore(%arg22 : memref<!tpu.dma_semaphore, #tpu.memory_space<semaphore_mem>>)
    %dma_wait3A_673 = arith.constant 0 : i32
    %dma_wait3A_674 = tpu.memref_slice %arg4[%mul3A_628, %dma_wait3A_673] : memref<425984x32xf32, #tpu.memory_space<hbm>> -> memref<1664x32xf32, #tpu.memory_space<hbm>>
    %dma_wait3A_675 = arith.constant 0 : i32
    %dma_wait3A_676 = tpu.memref_slice %arg4[%mul3A_628, %dma_wait3A_675] : memref<425984x32xf32, #tpu.memory_space<hbm>> -> memref<1664x32xf32, #tpu.memory_space<hbm>>
    tpu.wait_dma2 semaphore(%arg21 : memref<!tpu.dma_semaphore, #tpu.memory_space<semaphore_mem>>) src(%arg11 : memref<1664x32xf32, #tpu.memory_space<vmem>>) dst(%dma_wait3A_676 : memref<1664x32xf32, #tpu.memory_space<hbm>>)
    %dma_wait3A_677 = arith.constant 0 : i32
    %dma_wait3A_678 = tpu.memref_slice %arg4[%mul3A_668, %dma_wait3A_677] : memref<425984x32xf32, #tpu.memory_space<hbm>> -> memref<1664x32xf32, #tpu.memory_space<hbm>>
    %dma_wait3A_679 = arith.constant 0 : i32
    %dma_wait3A_680 = tpu.memref_slice %arg4[%mul3A_668, %dma_wait3A_679] : memref<425984x32xf32, #tpu.memory_space<hbm>> -> memref<1664x32xf32, #tpu.memory_space<hbm>>
    tpu.wait_dma2 semaphore(%arg22 : memref<!tpu.dma_semaphore, #tpu.memory_space<semaphore_mem>>) src(%arg12 : memref<1664x32xf32, #tpu.memory_space<vmem>>) dst(%dma_wait3A_680 : memref<1664x32xf32, #tpu.memory_space<hbm>>)
    return
  }
}

</mosaic_0001>

<sc_bundles>
// kernel: kernel.3.cloned.1.call-start
scs
__scs_entry_jumppad:
0x0: {  	(pc) =	sbr.rel $0x88, $3  }
0x1: {  	(tag) =	ssettag $0x0;
	lr =	simm.s32 $0x1  }
0x2: {  	[smem:$0x3F9F] =	sst lr;
	_ =	strace $0xD0000000  }
0x3: {  	_ = 	snop  }
0x4: {  	_ = 	snop  }
0x5: {  	_ = 	snop  }
0x6: {  	_ = 	snop  }
0x7: {  	_ = 	snop  }
__scs_overlays_trampoline_lowered:
0x8: {  	[smem:$0x3FAE] =	sst s0  }
0x9: {  	[smem:$0x3FAF] =	sst s1  }
0xa: {  	[smem:$0x3FB0] =	sst s2  }
0xb: {  	[smem:$0x3FB1] =	sst s3  }
0xc: {  	[smem:$0x3FB2] =	sst s4  }
0xd: {  	[smem:$0x3FB3] =	sst s5  }
0xe: {  	[smem:$0x3FB4] =	sst s6  }
0xf: {  	[smem:$0x3FB5] =	sst s7  }
0x10: {  	[smem:$0x3FB6] =	sst s8  }
0x11: {  	[smem:$0x3FB7] =	sst s9;
	s0 =	simm.s32 @!p0 $0x0  }
0x12: {  	s1 =	sld [smem:$0x3F9D];
	s0 =	simm.s32 @p0 $0x1  }
0x13: {  	[smem:$0x3FB8] =	sst s0;
	s0 =	simm.s32 @!p1 $0x0  }
0x14: {  	s2 =	sld [smem:$0x3F9C];
	s0 =	simm.s32 @p1 $0x1  }
0x15: {  	[smem:$0x3FB9] =	sst s0;
	s0 =	simm.s32 @!p2 $0x0  }
0x16: {  	s3 =	sld [smem:$0x3FDB];
	s0 =	simm.s32 @p2 $0x1  }
0x17: {  	s4 =	simm.s32 $0x1BF5;
	[smem:$0x3FBB] =	sst s0  }
0x18: {  	s0 =	sld [smem:$0x3F9E];
	_ =	swait.ge [sflag:s4], $0x0  }
0x19: {  	s7 =	sld [smem:$0x3F9F]  }
0x1a: {  	s8 =	sadd.s32 $0xFFFFE003, lr  }
0x1b: {  	s9 =	sadd.s32 $0xFFFFFEF7, lr;
	s5 =	simm.s32 $0xFFFFFFFF;
	p2 =	slt.u32 s8, $0xFFFFF086  }
0x1c: {  	p1 =	slt.u32 s9, $0xF7A;
	s5 =	simm.s32 @!p2 $0x0  }
0x1d: {  	s5 =	simm.s32 @p1 $0x1;
	p0 =	seq.s32 s7, s2  }
0x1e: {  	s7 =	smul.u32 @!p0 $0xF7A, s2;
	p2 =	seq.s32 @!p0 s5, $0x0  }
0x1f: {  	s9 =	smul.u32 $0xF7A, s1;
	s8 =	simm.s32 @!p0 $0x1BF5;
	p2 =	por !p2, p0  }
0x20: {  	[sflag:s8] =	ssyncset.s32 @!p0 $0xFFFFF086;
	s6 =	sadd.s32 @!p0 s3, s7;
	s7 =	simm.s32 @!p0 $0x108  }
0x21: {  	s3 =	sadd.s32 s3, s9;
	s6 =	sadd.s32 @!p0 $0x88, s6;
	s7 =	simm.s32 @p2 $0x1082  }
0x22: {  	[simem:s7], [sflag:s8] =	dma.local @!p0 [hbm:s6], $0xF7A  }
0x23: {  	s9 =	sor.u32 $0xD0000000, s2;
	s6 =	simm.s32 $0x108;
	_ =	swait.ge @!p0 [sflag:s8], $0x0  }
0x24: {  	s3 =	sadd.s32 $0x88, s3;
	s6 =	simm.s32 @!p1 $0x1082;
	[sflag:s4] =	ssyncset.s32 $0xFFFFF086  }
0x25: {  	[simem:s6], [sflag:s4] =	dma.local [hbm:s3], $0xF7A  }
0x26: {  	[smem:$0x3F9F] =	sst s1;
	(tag) =	ssettag s2;
	_ =	strace s9  }
0x27: {  	s1 =	sld [smem:$0x3FAF]  }
0x28: {  	s2 =	sld [smem:$0x3FB0]  }
0x29: {  	s4 =	sld [smem:$0x3FB2]  }
0x2a: {  	p0 =	seq.s32 s5, $0x0;
	s5 =	sld [smem:$0x3FB3]  }
0x2b: {  	s6 =	sld [smem:$0x3FB4]  }
0x2c: {  	s7 =	sld [smem:$0x3FB5]  }
0x2d: {  	s3 =	simm.s32 $0x108;
	s8 =	sld [smem:$0x3FB6]  }
0x2e: {  	s3 =	simm.s32 @!p0 $0x1082;
	s9 =	sld [smem:$0x3FB7]  }
0x2f: {  	lr =	sadd.s32 s0, s3;
	s0 =	sld [smem:$0x3FAE]  }
0x30: {  	s3 =	sld [smem:$0x3FB1]  }
0x31: {  	[smem:$0x3FBA] =	sst s10  }
0x32: {  	s10 =	sld [smem:$0x3FB8];
	_ =	sdelay $0x3  }
0x33: {  	p0 =	seq.s32 s10, $0x1;
	s10 =	sld [smem:$0x3FBA];
	_ =	sdelay $0x3  }
0x34: {  	[smem:$0x3FBA] =	sst s10  }
0x35: {  	s10 =	sld [smem:$0x3FB9];
	_ =	sdelay $0x3  }
0x36: {  	p1 =	seq.s32 s10, $0x1;
	s10 =	sld [smem:$0x3FBA];
	_ =	sdelay $0x3  }
0x37: {  	[smem:$0x3FBA] =	sst s10  }
0x38: {  	s10 =	sld [smem:$0x3FBB]  }
0x39: {  	_ = 	snop;
	(pc) =	sbr.ind lr, $3  }
0x3a: {  	_ = 	snop  }
0x3b: {  	_ = 	snop  }
0x3c: {  	p2 =	seq.s32 s10, $0x1;
	s10 =	sld [smem:$0x3FBA]  }
0x3d: {  	_ =	shalt  }
0x3e: {  	_ =	shalt  }
0x3f: {  	_ =	shalt  }
0x40: {  	_ =	shalt  }
0x41: {  	_ =	shalt  }
0x42: {  	_ =	shalt  }
0x43: {  	_ =	shalt  }
0x44: {  	_ =	shalt  }
0x45: {  	_ =	shalt  }
0x46: {  	_ =	shalt  }
0x47: {  	_ =	shalt  }
0x48: {  	_ =	shalt  }
0x49: {  	_ =	shalt  }
0x4a: {  	_ =	shalt  }
0x4b: {  	_ =	shalt  }
0x4c: {  	_ =	shalt  }
0x4d: {  	_ =	shalt  }
0x4e: {  	_ =	shalt  }
0x4f: {  	_ =	shalt  }
0x50: {  	_ =	shalt  }
0x51: {  	_ =	shalt  }
0x52: {  	_ =	shalt  }
0x53: {  	_ =	shalt  }
0x54: {  	_ =	shalt  }
0x55: {  	_ =	shalt  }
0x56: {  	_ =	shalt  }
0x57: {  	_ =	shalt  }
0x58: {  	_ =	shalt  }
0x59: {  	_ =	shalt  }
0x5a: {  	_ =	shalt  }
0x5b: {  	_ =	shalt  }
0x5c: {  	_ =	shalt  }
0x5d: {  	_ =	shalt  }
0x5e: {  	_ =	shalt  }
0x5f: {  	_ =	shalt  }
0x60: {  	_ =	shalt  }
0x61: {  	_ =	shalt  }
0x62: {  	_ =	shalt  }
0x63: {  	_ =	shalt  }
0x64: {  	_ =	shalt  }
0x65: {  	_ =	shalt  }
0x66: {  	_ =	shalt  }
0x67: {  	_ =	shalt  }
0x68: {  	_ =	shalt  }
0x69: {  	_ =	shalt  }
0x6a: {  	_ =	shalt  }
0x6b: {  	_ =	shalt  }
0x6c: {  	_ =	shalt  }
0x6d: {  	_ =	shalt  }
0x6e: {  	_ =	shalt  }
0x6f: {  	_ =	shalt  }
0x70: {  	_ =	shalt  }
0x71: {  	_ =	shalt  }
0x72: {  	_ =	shalt  }
0x73: {  	_ =	shalt  }
0x74: {  	_ =	shalt  }
0x75: {  	_ =	shalt  }
0x76: {  	_ =	shalt  }
0x77: {  	_ =	shalt  }
0x78: {  	_ =	shalt  }
0x79: {  	_ =	shalt  }
0x7a: {  	_ =	shalt  }
0x7b: {  	_ =	shalt  }
0x7c: {  	_ =	shalt  }
0x7d: {  	_ =	shalt  }
0x7e: {  	_ =	shalt  }
0x7f: {  	_ =	shalt  }
0x80: {  	_ =	shalt  }
0x81: {  	_ =	shalt  }
0x82: {  	_ =	shalt  }
0x83: {  	_ =	shalt  }
0x84: {  	_ =	shalt  }
0x85: {  	_ =	shalt  }
0x86: {  	_ =	shalt  }
0x87: {  	_ =	shalt  }
.Lfunc_end0:
.L_simem_size_0:
called_computation.1_lowered:
.L_overlay_start_0:
0x88: {  	s2 =	sld [smem:$0x3FD9]  }
0x89: {  	s3 =	sld [smem:$0x3FFE];
	_ =	sdelay $0x1  }
0x8a: {  	s1 =	srdreg.scid  }
0x8b: {  	s0 =	sand.u32 $0x1, s1  }
0x8c: {  	s17 =	sshll.u32 s0, $0xA;
	s2 =	sadd.s32 s3, s2  }
0x8d: {  	s2 =	sadd.s32 s2, s17  }
0x8e: {  	[smem:$0x3FC6] =	sst s2  }
0x8f: {  	_ = 	snop  }
0x90: {  	s2 =	sld [smem:$0x3FD0];
	(tm) =	ssettm $0x1  }
0x91: {  	s18 =	sld [smem:$0x3FFB];
	_ =	sdelay $0x3  }
0x92: {  	_ =	strace s18  }
0x93: {  	s3 =	sld [smem:$0x3FFC];
	_ =	sdelay $0x3  }
0x94: {  	_ =	strace s3  }
0x95: {  	s3 =	sld [smem:$0x3FFD];
	_ =	sdelay $0x3  }
0x96: {  	_ =	strace s3  }
0x97: {  	_ =	strace $0x8FFFFFFF  }
0x98: {  	s19 =	sld [smem:$0x3FDB];
	_ =	sdelay $0x1  }
0x99: {  	s4 =	simm.s32 $_scs_section_size  }
0x9a: {  	s5 =	simm.s32 $_size__tile_overlayer_lowered;
	s6 =	simm.s32 $_tile_overlayer_lowered  }
0x9b: {  	s22 =	simm.s32 $0x1BFF;
	s21 =	sshll.u32 s6, $0x1;
	s3 =	sadd.s32 s4, s19  }
0x9c: {  	s7 =	simm.s32 $0x0;
	s20 =	sshll.u32 s5, $0x1;
	s5 =	sadd.s32 s21, s3  }
0x9d: {  	[timem:s7], [sflag:s22] =	dma.local [hbm:s5], s20  }
0x9e: {  	_ =	swait.ge [sflag:s22], s20  }
0x9f: {  	s4 =	ssub.s32 $0x0, s20;
	[sflag:s22] =	ssyncset.done $0x0  }
0xa0: {  	[sflag:s22] =	ssyncadd.s32 s4;
	_ =	sdelay $0x1  }
0xa1: {  	s23 =	simm.s32 $0x1B8B  }
0xa2: {  	_ =	swait.ge [sflag:s23], $0x1  }
0xa3: {  	[sflag:s23] =	ssyncset.done $0x0  }
0xa4: {  	s25 =	simm.s32 $0x1B8E;
	s24 =	sld [smem:$0x3FFE];
	[sflag:s23] =	ssyncadd.s32 $0xFFFFFFFF  }
0xa5: {  	s26 =	simm.s32 $execute0_lowered;
	[smem:$0x3FD2] =	sst s25  }
0xa6: {  	s5 =	sshll.u32 s26, $0x1;
	_ =	strace $0x80000046;
	[dreg:$0x1] =	wrdreg $0xFFFFFFFF  }
0xa7: {  	s28 =	simm.s32 $_size_execute0_lowered;
	s3 =	sadd.s32 s3, s5;
	[dreg:$0x0] =	wrdreg $0x0  }
0xa8: {  	s5 =	sshll.u32 s28, $0x1;
	[dreg:$0x2] =	wrdreg s3  }
0xa9: {  	[dreg:$0x3] =	wrdreg s5  }
0xaa: {  	[dreg:$0x4] =	wrdreg $0xC0  }
0xab: {  	_ =	task [dreg:s7], $0x5FFFF  }
0xac: {  	[dreg:$0x1] =	wrdreg $0xFFFFFFFF  }
0xad: {  	[dreg:$0x0] =	wrdreg $0x60  }
0xae: {  	[dreg:$0x2] =	wrdreg s24  }
0xaf: {  	[dreg:$0x3] =	wrdreg s2  }
0xb0: {  	[dreg:$0x4] =	wrdreg $0x9  }
0xb1: {  	_ =	task.clear_ibuf [dreg:s7], $0x5FFFF;
	_ =	strace $0x90000046  }
0xb2: {  	s29 =	simm.s32 $0x9;
	_ =	strace $0x80000048  }
0xb3: {  	_ =	swait.ge [sflag:s29], $0x1  }
0xb4: {  	[sflag:s29] =	ssyncadd.s32 $0xFFFFFFFF  }
0xb5: {  	_ =	strace $0x90000048  }
0xb6: {  	_ =	sfence  }
0xb7: {  	s30 =	sld [smem:$0x0];
	_ =	sdelay $0x2  }
0xb8: {  	s31 =	sshll.u32 s1, $0xD;
	s1 =	sshrl.u32 s1, $0x2  }
0xb9: {  	s3 =	sand.u32 $0x4000, s31;
	s1 =	sadd.s32 s1, s30  }
0xba: {  	s0 =	sor.u32 s3, s0;
	s1 =	sshll.u32 s1, $0x11  }
0xbb: {  	s0 =	sor.u32 s1, s0  }
0xbc: {  	s0 =	sadd.s32 $0x8F2B, s0  }
0xbd: {  	[sflag:s0] =	ssyncadd.remote.s32 $0x1  }
0xbe: {  	_ =	sfence.sel $0xFFFF  }
0xbf: {  	[dreg:$0x0] =	wrdreg $0xFFFFFFFF;
	(pc) =	sbr.abs _section_cstart, $3  }
0xc0: {  	[dreg:$0x1] =	wrdreg $0xFFFFFFFF  }
0xc1: {  	_ =	task.clear_ibuf [dreg:s7], $0x2FFFF;
	_ =	strace $0x9FFFFFFF  }
0xc2: {  	(tm) =	ssettm $0x7FFFFFFF  }
0xc3: {  	_ =	shalt  }
tec
execute0_lowered:
.L_overlay_start_1:
0x0: {  	(tag) =	ssettag $0x1  }
0x1: {  	s0 =	rddreg [dreg:$0x0]  }
0x2: {  	s1 =	rddreg [dreg:$0x1]  }
0x3: {  	s2 =	simm.s32 $0x0;
	s3 =	srdreg.scid;
	s5 =	stileid.u32  }
0x4: {  	s29 =	simm.s32 $0x9080;
	s30 =	simm.s32 $0x2060;
	s31 =	simm.s32 $0xC480  }
0x5: {  	[smem:$0x7FF] =	sst s2;
	s3 =	sand.u32 $0x1, s3;
	s5 =	sshll.u32 s5, $0x1  }
0x6: {  	s6 =	sadd.s32 $0xA00, s0;
	_ =	strace $0x80000047;
	s4 =	ssub.s32 $0x2, s3  }
0x7: {  	s5 =	sor.u32 s3, s5;
	s3 =	sadd.s32 $0x27ACE00, s0;
	s7 =	sshrl.u32 s4, $0x1  }
0x8: {  	s26 =	sshll.u32 s5, $0x9;
	s28 =	sshll.u32 s5, $0xB;
	s5 =	smul.u32 $0xD000, s5  }
0x9: {  	s0 =	ssub.s32 s4, s7;
	s8 =	sor.u32 $0x40, s26;
	s10 =	sor.u32 $0x80, s26  }
0xa: {  	s7 =	sadd.s32 s6, s28;
	s14 =	sor.u32 $0xC0, s26;
	s16 =	sor.u32 $0x100, s26  }
0xb: {  	s20 =	sor.u32 $0x140, s26;
	s23 =	sor.u32 $0x180, s26;
	s4 =	sor.u32 $0x1C0, s26  }
0xc: {  	s9 =	sshll.u32 s8, $0x2;
	s8 =	smul.u32 $0x68, s8;
	[dreg:$0x3] =	wrdreg s7  }
0xd: {  	s11 =	sshll.u32 s10, $0x2;
	s5 =	sadd.s32 s1, s5;
	s15 =	smul.u32 $0x68, s10  }
0xe: {  	s17 =	sshll.u32 s14, $0x2;
	s18 =	sshll.u32 s16, $0x2;
	s21 =	smul.u32 $0x68, s16  }
0xf: {  	s22 =	sshll.u32 s20, $0x2;
	s24 =	smul.u32 $0x68, s23;
	s25 =	sshll.u32 s23, $0x2  }
0x10: {  	s26 =	smul.u32 $0x68, s4;
	s4 =	sshll.u32 s4, $0x2;
	s0 =	smax.u32 s0, $0x1  }
0x11: {  	s10 =	simm.s32 $0x1;
	s16 =	simm.s32 $0x6;
	s9 =	sadd.s32 s6, s9  }
0x12: {  	[dreg:$0x5] =	wrdreg s5;
	s12 =	sadd.s32 s6, s11;
	s5 =	smul.u32 $0x68, s14  }
0x13: {  	s19 =	sadd.s32 s6, s18;
	s4 =	sadd.s32 s6, s4;
	[dreg:$0x13] =	wrdreg s0  }
0x14: {  	s0 =	simm.s32 $0x2200;
	s11 =	simm.s32 $0x2;
	[dreg:$0x4] =	wrdreg s9  }
0x15: {  	s14 =	simm.s32 $0x9;
	s18 =	simm.s32 $0x8;
	[dreg:$0x6] =	wrdreg s12  }
0x16: {  	s13 =	sadd.s32 s1, s8;
	s9 =	sadd.s32 s6, s17;
	[dreg:$0xa] =	wrdreg s19  }
0x17: {  	s7 =	sadd.s32 s1, s15;
	s8 =	sadd.s32 s6, s22;
	[dreg:$0x10] =	wrdreg s4  }
0x18: {  	s28 =	sadd.s32 s1, s24;
	s22 =	simm.s32 $0x1A0;
	[dreg:$0x7] =	wrdreg s13  }
0x19: {  	s24 =	simm.s32 $0x2880;
	s4 =	simm.s32 $0x23A0;
	[dreg:$0x8] =	wrdreg s9  }
0x1a: {  	s12 =	simm.s32 $0x3;
	s15 =	simm.s32 $0x5;
	[dreg:$0x9] =	wrdreg s7  }
0x1b: {  	s17 =	simm.s32 $0x7;
	s19 =	simm.s32 $0xA;
	[dreg:$0xc] =	wrdreg s8  }
0x1c: {  	s5 =	sadd.s32 s1, s5;
	s7 =	sadd.s32 s1, s21;
	[dreg:$0x11] =	wrdreg s28  }
0x1d: {  	s21 =	simm.s32 $0xB;
	s8 =	simm.s32 $0x26E0;
	s9 =	simm.s32 $0x19480  }
0x1e: {  	s13 =	simm.s32 $0x4;
	[dreg:$0xb] =	wrdreg s5;
	s5 =	smul.u32 $0x68, s20  }
0x1f: {  	[dreg:$0xd] =	wrdreg s7;
	s7 =	sadd.s32 s6, s25;
	s6 =	simm.s32 $0x2540  }
0x20: {  	s20 =	simm.s32 $0x0;
	[dreg:$0xe] =	wrdreg s7;
	s5 =	sadd.s32 s1, s5  }
0x21: {  	s7 =	simm.s32 $0x16080;
	s1 =	sadd.s32 s1, s26;
	[dreg:$0xf] =	wrdreg s5  }
0x22: {  	v0 =	vimm.s32 $0x0;
	[dreg:$0x12] =	wrdreg s1;
	s1 =	simm.s32 $0xF880;
	s5 =	simm.s32 $0x12C80  }
.LBB2_1:
0x23: {  	v1 =	vlaneseq.u32;
	s23 =	simm.s32 $0x0  }
0x24: {  	[tilespmem:s23+$0xE80] =	vst v1;
	v3 =	vmul.u32 $0x186A0, v1  }
0x25: {  	[tilespmem:s23+$0x800] =	vst v0;
	v2 =	vadd.s32 $0x10, v1  }
0x26: {  	vm0 =	vgt.s32 v2, $0x19;
	[tilespmem:s23+$0x1500] =	vst v3;
	s23 =	simm.s32 $0x40;
	v3 =	vadd.s32 $0xFFFFFFF6, v1;
	v1 =	vimm.s32 $0x0  }
.LBB2_2:
0x27: {  	s25 =	sshra.s32 s23, $0x2;
	v4 =	vsel vm0, $0x1, v0;
	v3 =	vsel vm0, v3, v2;
	p0 =	sne.s32 s23, $0x19C0  }
.Ltmp0:
0x28: {  	[tilespmem:s25+$0xE80] =	vst v3;
	v2 =	vmul.u32 $0x186A0, v3;
	v1 =	vadd.s32 v4, v1;
	(pc) =	sbr.rel @p0 .LBB2_2-.Ltmp0, $4  }
0x29: {  	[tilespmem:s25+$0x800] =	vst v1  }
0x2a: {  	s23 =	sadd.s32 $0x40, s23;
	[tilespmem:s25+$0x1500] =	vst v2  }
0x2b: {  	v2 =	vadd.s32 $0x10, v3  }
0x2c: {  	v3 =	vadd.s32 $0xFFFFFFF6, v3;
	vm0 =	vgt.s32 v2, $0x19  }
0x2d: {  	s23 =	simm.s32 $0x0;
	s25 =	rddreg [dreg:$0x3]  }
0x2e: {  	[tilespmem:s23], [sflag:$0xB] =	stream.linear.gather [hbm4b:s25+s23], $0x800, $0x38;
	[tilespmem:$0x1C880] =	vst v63  }
0x2f: {  	_ =	swait.ge [sflag:s21], $0x800  }
0x30: {  	[sflag:s21] =	ssyncset.done $0x0  }
0x31: {  	s25 =	simm.s32 $0x0;
	[sflag:s21] =	ssyncadd.s32 $0xFFFFF800  }
0x32: {  	v1 =	vld [tilespmem:s25+$0x800]  }
0x33: {  	v2 =	vld [tilespmem:s25+$0xE80];
	_ =	sdelay $0x4  }
0x34: {  	s23 =	simm.s32 $0x10;
	v3 =	vand.u32 $0xFFFFFFF8, v2;
	v1 =	vshll.u32 v1, $0x5  }
0x35: {  	v2 =	vand.u32 $0x7, v2;
	v1 =	vadd.s32 v1, v3;
	v3 =	vld [tilespmem:s23+$0x800]  }
0x36: {  	v1 =	vor.u32 v2, v1;
	v2 =	vld [tilespmem:s23+$0xE80];
	_ =	sdelay $0x3  }
0x37: {  	v5 =	vshll.u32 v3, $0x5;
	v3 =	vld [tilespmem:s25+$0x1500]  }
0x38: {  	v1 =	vld.idx.msk [tilespmem:v1+s2+$0x0], $0xffff;
	v4 =	vand.u32 $0xFFFFFFF8, v2  }
0x39: {  	s26 =	simm.s32 $0x20;
	v6 =	vand.u32 $0x7, v2;
	v4 =	vadd.s32 v5, v4  }
0x3a: {  	s28 =	simm.s32 $0xC0;
	v2 =	vld [tilespmem:s26+$0x800];
	v4 =	vor.u32 v6, v4  }
.LBB2_4:
0x3b: {  	p0 =	sne.s32 s28, $0x19C0;
	v5 =	vld [tilespmem:s26+$0xE80];
	_ =	sdelay $0x1  }
0x3c: {  	v1 =	vadd.s32 v1, v3  }
.Ltmp1:
0x3d: {  	[tilespmem:s25+$0x1B80] =	vst v1;
	s25 =	smov.u32 s23;
	s23 =	smov.u32 s26;
	(pc) =	sbr.rel @p0 .LBB2_4-.Ltmp1, $4  }
0x3e: {  	v1 =	vld.idx.msk [tilespmem:v4+s2+$0x0], $0xffff  }
0x3f: {  	v2 =	vshll.u32 v2, $0x5;
	v4 =	vand.u32 $0xFFFFFFF8, v5;
	v3 =	vld [tilespmem:s25+$0x1500]  }
0x40: {  	s26 =	sshra.s32 s28, $0x2;
	v5 =	vand.u32 $0x7, v5;
	v4 =	vadd.s32 v2, v4  }
0x41: {  	s28 =	sadd.s32 $0x40, s28;
	v2 =	vld [tilespmem:s26+$0x800];
	v4 =	vor.u32 v5, v4  }
0x42: {  	v5 =	vld [tilespmem:s26+$0xE80];
	_ =	sdelay $0x1  }
0x43: {  	v1 =	vadd.s32 v1, v3  }
0x44: {  	[tilespmem:s25+$0x1B80] =	vst v1  }
0x45: {  	v1 =	vld.idx.msk [tilespmem:v4+s2+$0x0], $0xffff  }
0x46: {  	v2 =	vshll.u32 v2, $0x5;
	v4 =	vld [tilespmem:s23+$0x1500];
	v3 =	vand.u32 $0xFFFFFFF8, v5  }
0x47: {  	v5 =	vand.u32 $0x7, v5;
	v2 =	vadd.s32 v2, v3  }
0x48: {  	v2 =	vor.u32 v5, v2;
	_ =	sdelay $0x2  }
0x49: {  	v1 =	vadd.s32 v1, v4  }
0x4a: {  	[tilespmem:s23+$0x1B80] =	vst v1  }
0x4b: {  	v1 =	vld.idx.msk [tilespmem:v2+s2+$0x0], $0xffff  }
0x4c: {  	v2 =	vld [tilespmem:s26+$0x1500];
	_ =	sdelay $0x4  }
0x4d: {  	v1 =	vadd.s32 v1, v2  }
0x4e: {  	[tilespmem:s26+$0x1B80] =	vst v1;
	s26 =	simm.s32 $0x1B80  }
0x4f: {  	[tilespmem:s24], [sflag:$0x1] =	stream.indirect.gather [hbm4b:s3+s22], $0x20, s26, s22, $0xb8;
	[tilespmem:$0x1C880] =	vst v63  }
0x50: {  	s25 =	simm.s32 $0x1D20;
	s26 =	simm.s32 $0x5C80  }
0x51: {  	[tilespmem:s26], [sflag:$0x2] =	stream.indirect.gather [hbm4b:s3+s22], $0x20, s25, s22, $0xb8;
	[tilespmem:$0x1C880] =	vst v63  }
0x52: {  	s26 =	simm.s32 $0x1EC0  }
0x53: {  	[tilespmem:s29], [sflag:$0x3] =	stream.indirect.gather [hbm4b:s3+s22], $0x20, s26, s22, $0xb8;
	[tilespmem:$0x1C880] =	vst v63  }
0x54: {  	_ = 	snop  }
0x55: {  	[tilespmem:s31], [sflag:$0x4] =	stream.indirect.gather [hbm4b:s3+s22], $0x20, s30, s22, $0xb8;
	[tilespmem:$0x1C880] =	vst v63  }
0x56: {  	s25 =	simm.s32 $0x0;
	s26 =	rddreg [dreg:$0x4]  }
0x57: {  	[tilespmem:s25], [sflag:$0xB] =	stream.linear.gather [hbm4b:s26+s25], $0x800, $0x38;
	[tilespmem:$0x1C880] =	vst v63  }
0x58: {  	_ =	swait.ge [sflag:s21], $0x800  }
0x59: {  	[sflag:s21] =	ssyncset.done $0x0  }
0x5a: {  	s25 =	simm.s32 $0x0;
	[sflag:s21] =	ssyncadd.s32 $0xFFFFF800  }
0x5b: {  	v1 =	vld [tilespmem:s25+$0x800]  }
0x5c: {  	v2 =	vld [tilespmem:s25+$0xE80];
	_ =	sdelay $0x4  }
0x5d: {  	s23 =	simm.s32 $0x10;
	v3 =	vand.u32 $0xFFFFFFF8, v2;
	v1 =	vshll.u32 v1, $0x5  }
0x5e: {  	v2 =	vand.u32 $0x7, v2;
	v1 =	vadd.s32 v1, v3;
	v3 =	vld [tilespmem:s23+$0x800]  }
0x5f: {  	v1 =	vor.u32 v2, v1;
	v2 =	vld [tilespmem:s23+$0xE80];
	_ =	sdelay $0x3  }
0x60: {  	v5 =	vshll.u32 v3, $0x5;
	v3 =	vld [tilespmem:s25+$0x1500]  }
0x61: {  	v1 =	vld.idx.msk [tilespmem:v1+s2+$0x0], $0xffff;
	v4 =	vand.u32 $0xFFFFFFF8, v2  }
0x62: {  	s26 =	simm.s32 $0x20;
	v6 =	vand.u32 $0x7, v2;
	v4 =	vadd.s32 v5, v4  }
0x63: {  	s28 =	simm.s32 $0xC0;
	v2 =	vld [tilespmem:s26+$0x800];
	v4 =	vor.u32 v6, v4  }
.LBB2_6:
0x64: {  	p0 =	sne.s32 s28, $0x19C0;
	v5 =	vld [tilespmem:s26+$0xE80];
	_ =	sdelay $0x1  }
0x65: {  	v1 =	vadd.s32 v1, v3  }
.Ltmp2:
0x66: {  	[tilespmem:s25+$0x2200] =	vst v1;
	s25 =	smov.u32 s23;
	s23 =	smov.u32 s26;
	(pc) =	sbr.rel @p0 .LBB2_6-.Ltmp2, $4  }
0x67: {  	v1 =	vld.idx.msk [tilespmem:v4+s2+$0x0], $0xffff  }
0x68: {  	v2 =	vshll.u32 v2, $0x5;
	v4 =	vand.u32 $0xFFFFFFF8, v5;
	v3 =	vld [tilespmem:s25+$0x1500]  }
0x69: {  	s26 =	sshra.s32 s28, $0x2;
	v5 =	vand.u32 $0x7, v5;
	v4 =	vadd.s32 v2, v4  }
0x6a: {  	s28 =	sadd.s32 $0x40, s28;
	v2 =	vld [tilespmem:s26+$0x800];
	v4 =	vor.u32 v5, v4  }
0x6b: {  	v5 =	vld [tilespmem:s26+$0xE80];
	_ =	sdelay $0x1  }
0x6c: {  	v1 =	vadd.s32 v1, v3  }
0x6d: {  	[tilespmem:s25+$0x2200] =	vst v1  }
0x6e: {  	v1 =	vld.idx.msk [tilespmem:v4+s2+$0x0], $0xffff  }
0x6f: {  	v2 =	vshll.u32 v2, $0x5;
	v4 =	vld [tilespmem:s23+$0x1500];
	v3 =	vand.u32 $0xFFFFFFF8, v5  }
0x70: {  	v5 =	vand.u32 $0x7, v5;
	v2 =	vadd.s32 v2, v3  }
0x71: {  	v2 =	vor.u32 v5, v2;
	_ =	sdelay $0x2  }
0x72: {  	v1 =	vadd.s32 v1, v4  }
0x73: {  	[tilespmem:s23+$0x2200] =	vst v1  }
0x74: {  	v1 =	vld.idx.msk [tilespmem:v2+s2+$0x0], $0xffff  }
0x75: {  	v2 =	vld [tilespmem:s26+$0x1500];
	_ =	sdelay $0x4  }
0x76: {  	v1 =	vadd.s32 v1, v2  }
0x77: {  	[tilespmem:s26+$0x2200] =	vst v1  }
0x78: {  	[tilespmem:s1], [sflag:$0x5] =	stream.indirect.gather [hbm4b:s3+s22], $0x20, s0, s22, $0xb8;
	[tilespmem:$0x1C880] =	vst v63  }
0x79: {  	_ = 	snop  }
0x7a: {  	[tilespmem:s5], [sflag:$0x6] =	stream.indirect.gather [hbm4b:s3+s22], $0x20, s4, s22, $0xb8;
	[tilespmem:$0x1C880] =	vst v63  }
0x7b: {  	_ = 	snop  }
0x7c: {  	[tilespmem:s7], [sflag:$0x7] =	stream.indirect.gather [hbm4b:s3+s22], $0x20, s6, s22, $0xb8;
	[tilespmem:$0x1C880] =	vst v63  }
0x7d: {  	_ = 	snop  }
0x7e: {  	[tilespmem:s9], [sflag:$0x8] =	stream.indirect.gather [hbm4b:s3+s22], $0x20, s8, s22, $0xb8;
	[tilespmem:$0x1C880] =	vst v63  }
0x7f: {  	_ =	swait.ge [sflag:s10], $0x3400  }
0x80: {  	[sflag:s10] =	ssyncset.done $0x0  }
0x81: {  	[sflag:s10] =	ssyncadd.s32 $0xFFFFCC00  }
0x82: {  	_ =	swait.ge [sflag:s11], $0x3400  }
0x83: {  	[sflag:s11] =	ssyncset.done $0x0  }
0x84: {  	[sflag:s11] =	ssyncadd.s32 $0xFFFFCC00  }
0x85: {  	_ =	swait.ge [sflag:s12], $0x3400  }
0x86: {  	[sflag:s12] =	ssyncset.done $0x0  }
0x87: {  	[sflag:s12] =	ssyncadd.s32 $0xFFFFCC00  }
0x88: {  	_ =	swait.ge [sflag:s13], $0x3400  }
0x89: {  	[sflag:s13] =	ssyncset.done $0x0  }
0x8a: {  	s23 =	simm.s32 $0x0;
	s26 =	rddreg [dreg:$0x5];
	[sflag:s13] =	ssyncadd.s32 $0xFFFFCC00  }
0x8b: {  	[hbm4b:s26+s23] =	stream.linear.scatter [tilespmem:s24], [sflag:$0x9], $0xD000, $0x38;
	[tilespmem:$0x1C880] =	vst v63  }
0x8c: {  	_ =	swait.ge [sflag:s14], $0xD000  }
0x8d: {  	[sflag:s14] =	ssyncset.done $0x0  }
0x8e: {  	s26 =	rddreg [dreg:$0x6];
	[sflag:s14] =	ssyncadd.s32 $0xFFFF3000  }
0x8f: {  	[tilespmem:s23], [sflag:$0xB] =	stream.linear.gather [hbm4b:s26+s23], $0x800, $0x38;
	[tilespmem:$0x1C880] =	vst v63  }
0x90: {  	_ =	swait.ge [sflag:s21], $0x800  }
0x91: {  	[sflag:s21] =	ssyncset.done $0x0  }
0x92: {  	s25 =	simm.s32 $0x0;
	[sflag:s21] =	ssyncadd.s32 $0xFFFFF800  }
0x93: {  	v1 =	vld [tilespmem:s25+$0x800]  }
0x94: {  	v2 =	vld [tilespmem:s25+$0xE80];
	_ =	sdelay $0x4  }
0x95: {  	s23 =	simm.s32 $0x10;
	v3 =	vand.u32 $0xFFFFFFF8, v2;
	v1 =	vshll.u32 v1, $0x5  }
0x96: {  	v2 =	vand.u32 $0x7, v2;
	v1 =	vadd.s32 v1, v3;
	v3 =	vld [tilespmem:s23+$0x800]  }
0x97: {  	v1 =	vor.u32 v2, v1;
	v2 =	vld [tilespmem:s23+$0xE80];
	_ =	sdelay $0x3  }
0x98: {  	v5 =	vshll.u32 v3, $0x5;
	v3 =	vld [tilespmem:s25+$0x1500]  }
0x99: {  	v1 =	vld.idx.msk [tilespmem:v1+s2+$0x0], $0xffff;
	v4 =	vand.u32 $0xFFFFFFF8, v2  }
0x9a: {  	s26 =	simm.s32 $0x20;
	v6 =	vand.u32 $0x7, v2;
	v4 =	vadd.s32 v5, v4  }
0x9b: {  	s28 =	simm.s32 $0xC0;
	v2 =	vld [tilespmem:s26+$0x800];
	v4 =	vor.u32 v6, v4  }
.LBB2_8:
0x9c: {  	p0 =	sne.s32 s28, $0x19C0;
	v5 =	vld [tilespmem:s26+$0xE80];
	_ =	sdelay $0x1  }
0x9d: {  	v1 =	vadd.s32 v1, v3  }
.Ltmp3:
0x9e: {  	[tilespmem:s25+$0x1B80] =	vst v1;
	s25 =	smov.u32 s23;
	s23 =	smov.u32 s26;
	(pc) =	sbr.rel @p0 .LBB2_8-.Ltmp3, $4  }
0x9f: {  	v1 =	vld.idx.msk [tilespmem:v4+s2+$0x0], $0xffff  }
0xa0: {  	v2 =	vshll.u32 v2, $0x5;
	v4 =	vand.u32 $0xFFFFFFF8, v5;
	v3 =	vld [tilespmem:s25+$0x1500]  }
0xa1: {  	s26 =	sshra.s32 s28, $0x2;
	v5 =	vand.u32 $0x7, v5;
	v4 =	vadd.s32 v2, v4  }
0xa2: {  	s28 =	sadd.s32 $0x40, s28;
	v2 =	vld [tilespmem:s26+$0x800];
	v4 =	vor.u32 v5, v4  }
0xa3: {  	v5 =	vld [tilespmem:s26+$0xE80];
	_ =	sdelay $0x1  }
0xa4: {  	v1 =	vadd.s32 v1, v3  }
0xa5: {  	[tilespmem:s25+$0x1B80] =	vst v1  }
0xa6: {  	v1 =	vld.idx.msk [tilespmem:v4+s2+$0x0], $0xffff  }
0xa7: {  	v2 =	vshll.u32 v2, $0x5;
	v4 =	vld [tilespmem:s23+$0x1500];
	v3 =	vand.u32 $0xFFFFFFF8, v5  }
0xa8: {  	v5 =	vand.u32 $0x7, v5;
	v2 =	vadd.s32 v2, v3  }
0xa9: {  	v2 =	vor.u32 v5, v2;
	_ =	sdelay $0x2  }
0xaa: {  	v1 =	vadd.s32 v1, v4  }
0xab: {  	[tilespmem:s23+$0x1B80] =	vst v1  }
0xac: {  	v1 =	vld.idx.msk [tilespmem:v2+s2+$0x0], $0xffff  }
0xad: {  	v2 =	vld [tilespmem:s26+$0x1500];
	_ =	sdelay $0x4  }
0xae: {  	v1 =	vadd.s32 v1, v2  }
0xaf: {  	[tilespmem:s26+$0x1B80] =	vst v1;
	s26 =	simm.s32 $0x1B80  }
0xb0: {  	[tilespmem:s24], [sflag:$0x1] =	stream.indirect.gather [hbm4b:s3+s22], $0x20, s26, s22, $0xb8;
	[tilespmem:$0x1C880] =	vst v63  }
0xb1: {  	s25 =	simm.s32 $0x1D20;
	s26 =	simm.s32 $0x5C80  }
0xb2: {  	[tilespmem:s26], [sflag:$0x2] =	stream.indirect.gather [hbm4b:s3+s22], $0x20, s25, s22, $0xb8;
	[tilespmem:$0x1C880] =	vst v63  }
0xb3: {  	s25 =	simm.s32 $0x1EC0  }
0xb4: {  	[tilespmem:s29], [sflag:$0x3] =	stream.indirect.gather [hbm4b:s3+s22], $0x20, s25, s22, $0xb8;
	[tilespmem:$0x1C880] =	vst v63  }
0xb5: {  	_ = 	snop  }
0xb6: {  	[tilespmem:s31], [sflag:$0x4] =	stream.indirect.gather [hbm4b:s3+s22], $0x20, s30, s22, $0xb8;
	[tilespmem:$0x1C880] =	vst v63  }
0xb7: {  	_ =	swait.ge [sflag:s15], $0x3400  }
0xb8: {  	[sflag:s15] =	ssyncset.done $0x0  }
0xb9: {  	[sflag:s15] =	ssyncadd.s32 $0xFFFFCC00  }
0xba: {  	_ =	swait.ge [sflag:s16], $0x3400  }
0xbb: {  	[sflag:s16] =	ssyncset.done $0x0  }
0xbc: {  	[sflag:s16] =	ssyncadd.s32 $0xFFFFCC00  }
0xbd: {  	_ =	swait.ge [sflag:s17], $0x3400  }
0xbe: {  	[sflag:s17] =	ssyncset.done $0x0  }
0xbf: {  	[sflag:s17] =	ssyncadd.s32 $0xFFFFCC00  }
0xc0: {  	_ =	swait.ge [sflag:s18], $0x3400  }
0xc1: {  	[sflag:s18] =	ssyncset.done $0x0  }
0xc2: {  	s23 =	simm.s32 $0x0;
	s26 =	rddreg [dreg:$0x7];
	[sflag:s18] =	ssyncadd.s32 $0xFFFFCC00  }
0xc3: {  	[hbm4b:s26+s23] =	stream.linear.scatter [tilespmem:s1], [sflag:$0xA], $0xD000, $0x38;
	[tilespmem:$0x1C880] =	vst v63  }
0xc4: {  	_ =	swait.ge [sflag:s19], $0xD000  }
0xc5: {  	[sflag:s19] =	ssyncset.done $0x0  }
0xc6: {  	s26 =	rddreg [dreg:$0x8];
	[sflag:s19] =	ssyncadd.s32 $0xFFFF3000  }
0xc7: {  	[tilespmem:s23], [sflag:$0xB] =	stream.linear.gather [hbm4b:s26+s23], $0x800, $0x38;
	[tilespmem:$0x1C880] =	vst v63  }
0xc8: {  	_ =	swait.ge [sflag:s21], $0x800  }
0xc9: {  	[sflag:s21] =	ssyncset.done $0x0  }
0xca: {  	s25 =	simm.s32 $0x0;
	[sflag:s21] =	ssyncadd.s32 $0xFFFFF800  }
0xcb: {  	v1 =	vld [tilespmem:s25+$0x800]  }
0xcc: {  	v2 =	vld [tilespmem:s25+$0xE80];
	_ =	sdelay $0x4  }
0xcd: {  	s23 =	simm.s32 $0x10;
	v3 =	vand.u32 $0xFFFFFFF8, v2;
	v1 =	vshll.u32 v1, $0x5  }
0xce: {  	v2 =	vand.u32 $0x7, v2;
	v1 =	vadd.s32 v1, v3;
	v3 =	vld [tilespmem:s23+$0x800]  }
0xcf: {  	v1 =	vor.u32 v2, v1;
	v2 =	vld [tilespmem:s23+$0xE80];
	_ =	sdelay $0x3  }
0xd0: {  	v5 =	vshll.u32 v3, $0x5;
	v3 =	vld [tilespmem:s25+$0x1500]  }
0xd1: {  	v1 =	vld.idx.msk [tilespmem:v1+s2+$0x0], $0xffff;
	v4 =	vand.u32 $0xFFFFFFF8, v2  }
0xd2: {  	s26 =	simm.s32 $0x20;
	v6 =	vand.u32 $0x7, v2;
	v4 =	vadd.s32 v5, v4  }
0xd3: {  	s28 =	simm.s32 $0xC0;
	v2 =	vld [tilespmem:s26+$0x800];
	v4 =	vor.u32 v6, v4  }
.LBB2_10:
0xd4: {  	p0 =	sne.s32 s28, $0x19C0;
	v5 =	vld [tilespmem:s26+$0xE80];
	_ =	sdelay $0x1  }
0xd5: {  	v1 =	vadd.s32 v1, v3  }
.Ltmp4:
0xd6: {  	[tilespmem:s25+$0x2200] =	vst v1;
	s25 =	smov.u32 s23;
	s23 =	smov.u32 s26;
	(pc) =	sbr.rel @p0 .LBB2_10-.Ltmp4, $4  }
0xd7: {  	v1 =	vld.idx.msk [tilespmem:v4+s2+$0x0], $0xffff  }
0xd8: {  	v2 =	vshll.u32 v2, $0x5;
	v4 =	vand.u32 $0xFFFFFFF8, v5;
	v3 =	vld [tilespmem:s25+$0x1500]  }
0xd9: {  	s26 =	sshra.s32 s28, $0x2;
	v5 =	vand.u32 $0x7, v5;
	v4 =	vadd.s32 v2, v4  }
0xda: {  	s28 =	sadd.s32 $0x40, s28;
	v2 =	vld [tilespmem:s26+$0x800];
	v4 =	vor.u32 v5, v4  }
0xdb: {  	v5 =	vld [tilespmem:s26+$0xE80];
	_ =	sdelay $0x1  }
0xdc: {  	v1 =	vadd.s32 v1, v3  }
0xdd: {  	[tilespmem:s25+$0x2200] =	vst v1  }
0xde: {  	v1 =	vld.idx.msk [tilespmem:v4+s2+$0x0], $0xffff  }
0xdf: {  	v2 =	vshll.u32 v2, $0x5;
	v4 =	vld [tilespmem:s23+$0x1500];
	v3 =	vand.u32 $0xFFFFFFF8, v5  }
0xe0: {  	v5 =	vand.u32 $0x7, v5;
	v2 =	vadd.s32 v2, v3  }
0xe1: {  	v2 =	vor.u32 v5, v2;
	_ =	sdelay $0x2  }
0xe2: {  	v1 =	vadd.s32 v1, v4  }
0xe3: {  	[tilespmem:s23+$0x2200] =	vst v1  }
0xe4: {  	v1 =	vld.idx.msk [tilespmem:v2+s2+$0x0], $0xffff  }
0xe5: {  	v2 =	vld [tilespmem:s26+$0x1500];
	_ =	sdelay $0x4  }
0xe6: {  	v1 =	vadd.s32 v1, v2  }
0xe7: {  	[tilespmem:s26+$0x2200] =	vst v1  }
0xe8: {  	[tilespmem:s1], [sflag:$0x5] =	stream.indirect.gather [hbm4b:s3+s22], $0x20, s0, s22, $0xb8;
	[tilespmem:$0x1C880] =	vst v63  }
0xe9: {  	_ = 	snop  }
0xea: {  	[tilespmem:s5], [sflag:$0x6] =	stream.indirect.gather [hbm4b:s3+s22], $0x20, s4, s22, $0xb8;
	[tilespmem:$0x1C880] =	vst v63  }
0xeb: {  	_ = 	snop  }
0xec: {  	[tilespmem:s7], [sflag:$0x7] =	stream.indirect.gather [hbm4b:s3+s22], $0x20, s6, s22, $0xb8;
	[tilespmem:$0x1C880] =	vst v63  }
0xed: {  	_ = 	snop  }
0xee: {  	[tilespmem:s9], [sflag:$0x8] =	stream.indirect.gather [hbm4b:s3+s22], $0x20, s8, s22, $0xb8;
	[tilespmem:$0x1C880] =	vst v63  }
0xef: {  	_ =	swait.ge [sflag:s10], $0x3400  }
0xf0: {  	[sflag:s10] =	ssyncset.done $0x0  }
0xf1: {  	[sflag:s10] =	ssyncadd.s32 $0xFFFFCC00  }
0xf2: {  	_ =	swait.ge [sflag:s11], $0x3400  }
0xf3: {  	[sflag:s11] =	ssyncset.done $0x0  }
0xf4: {  	[sflag:s11] =	ssyncadd.s32 $0xFFFFCC00  }
0xf5: {  	_ =	swait.ge [sflag:s12], $0x3400  }
0xf6: {  	[sflag:s12] =	ssyncset.done $0x0  }
0xf7: {  	[sflag:s12] =	ssyncadd.s32 $0xFFFFCC00  }
0xf8: {  	_ =	swait.ge [sflag:s13], $0x3400  }
0xf9: {  	[sflag:s13] =	ssyncset.done $0x0  }
0xfa: {  	s23 =	simm.s32 $0x0;
	s26 =	rddreg [dreg:$0x9];
	[sflag:s13] =	ssyncadd.s32 $0xFFFFCC00  }
0xfb: {  	[hbm4b:s26+s23] =	stream.linear.scatter [tilespmem:s24], [sflag:$0x9], $0xD000, $0x38;
	[tilespmem:$0x1C880] =	vst v63  }
0xfc: {  	_ =	swait.ge [sflag:s14], $0xD000  }
0xfd: {  	[sflag:s14] =	ssyncset.done $0x0  }
0xfe: {  	s26 =	rddreg [dreg:$0xa];
	[sflag:s14] =	ssyncadd.s32 $0xFFFF3000  }
0xff: {  	[tilespmem:s23], [sflag:$0xB] =	stream.linear.gather [hbm4b:s26+s23], $0x800, $0x38;
	[tilespmem:$0x1C880] =	vst v63  }
0x100: {  	_ =	swait.ge [sflag:s21], $0x800  }
0x101: {  	[sflag:s21] =	ssyncset.done $0x0  }
0x102: {  	s25 =	simm.s32 $0x0;
	[sflag:s21] =	ssyncadd.s32 $0xFFFFF800  }
0x103: {  	v1 =	vld [tilespmem:s25+$0x800]  }
0x104: {  	v2 =	vld [tilespmem:s25+$0xE80];
	_ =	sdelay $0x4  }
0x105: {  	s23 =	simm.s32 $0x10;
	v3 =	vand.u32 $0xFFFFFFF8, v2;
	v1 =	vshll.u32 v1, $0x5  }
0x106: {  	v2 =	vand.u32 $0x7, v2;
	v1 =	vadd.s32 v1, v3;
	v3 =	vld [tilespmem:s23+$0x800]  }
0x107: {  	v1 =	vor.u32 v2, v1;
	v2 =	vld [tilespmem:s23+$0xE80];
	_ =	sdelay $0x3  }
0x108: {  	v5 =	vshll.u32 v3, $0x5;
	v3 =	vld [tilespmem:s25+$0x1500]  }
0x109: {  	v1 =	vld.idx.msk [tilespmem:v1+s2+$0x0], $0xffff;
	v4 =	vand.u32 $0xFFFFFFF8, v2  }
0x10a: {  	s26 =	simm.s32 $0x20;
	v6 =	vand.u32 $0x7, v2;
	v4 =	vadd.s32 v5, v4  }
0x10b: {  	s28 =	simm.s32 $0xC0;
	v2 =	vld [tilespmem:s26+$0x800];
	v4 =	vor.u32 v6, v4  }
.LBB2_12:
0x10c: {  	p0 =	sne.s32 s28, $0x19C0;
	v5 =	vld [tilespmem:s26+$0xE80];
	_ =	sdelay $0x1  }
0x10d: {  	v1 =	vadd.s32 v1, v3  }
.Ltmp5:
0x10e: {  	[tilespmem:s25+$0x1B80] =	vst v1;
	s25 =	smov.u32 s23;
	s23 =	smov.u32 s26;
	(pc) =	sbr.rel @p0 .LBB2_12-.Ltmp5, $4  }
0x10f: {  	v1 =	vld.idx.msk [tilespmem:v4+s2+$0x0], $0xffff  }
0x110: {  	v2 =	vshll.u32 v2, $0x5;
	v4 =	vand.u32 $0xFFFFFFF8, v5;
	v3 =	vld [tilespmem:s25+$0x1500]  }
0x111: {  	s26 =	sshra.s32 s28, $0x2;
	v5 =	vand.u32 $0x7, v5;
	v4 =	vadd.s32 v2, v4  }
0x112: {  	s28 =	sadd.s32 $0x40, s28;
	v2 =	vld [tilespmem:s26+$0x800];
	v4 =	vor.u32 v5, v4  }
0x113: {  	v5 =	vld [tilespmem:s26+$0xE80];
	_ =	sdelay $0x1  }
0x114: {  	v1 =	vadd.s32 v1, v3  }
0x115: {  	[tilespmem:s25+$0x1B80] =	vst v1  }
0x116: {  	v1 =	vld.idx.msk [tilespmem:v4+s2+$0x0], $0xffff  }
0x117: {  	v2 =	vshll.u32 v2, $0x5;
	v4 =	vld [tilespmem:s23+$0x1500];
	v3 =	vand.u32 $0xFFFFFFF8, v5  }
0x118: {  	v5 =	vand.u32 $0x7, v5;
	v2 =	vadd.s32 v2, v3  }
0x119: {  	v2 =	vor.u32 v5, v2;
	_ =	sdelay $0x2  }
0x11a: {  	v1 =	vadd.s32 v1, v4  }
0x11b: {  	[tilespmem:s23+$0x1B80] =	vst v1  }
0x11c: {  	v1 =	vld.idx.msk [tilespmem:v2+s2+$0x0], $0xffff  }
0x11d: {  	v2 =	vld [tilespmem:s26+$0x1500];
	_ =	sdelay $0x4  }
0x11e: {  	v1 =	vadd.s32 v1, v2  }
0x11f: {  	[tilespmem:s26+$0x1B80] =	vst v1;
	s26 =	simm.s32 $0x1B80  }
0x120: {  	[tilespmem:s24], [sflag:$0x1] =	stream.indirect.gather [hbm4b:s3+s22], $0x20, s26, s22, $0xb8;
	[tilespmem:$0x1C880] =	vst v63  }
0x121: {  	s25 =	simm.s32 $0x1D20;
	s26 =	simm.s32 $0x5C80  }
0x122: {  	[tilespmem:s26], [sflag:$0x2] =	stream.indirect.gather [hbm4b:s3+s22], $0x20, s25, s22, $0xb8;
	[tilespmem:$0x1C880] =	vst v63  }
0x123: {  	s25 =	simm.s32 $0x1EC0  }
0x124: {  	[tilespmem:s29], [sflag:$0x3] =	stream.indirect.gather [hbm4b:s3+s22], $0x20, s25, s22, $0xb8;
	[tilespmem:$0x1C880] =	vst v63  }
0x125: {  	_ = 	snop  }
0x126: {  	[tilespmem:s31], [sflag:$0x4] =	stream.indirect.gather [hbm4b:s3+s22], $0x20, s30, s22, $0xb8;
	[tilespmem:$0x1C880] =	vst v63  }
0x127: {  	_ =	swait.ge [sflag:s15], $0x3400  }
0x128: {  	[sflag:s15] =	ssyncset.done $0x0  }
0x129: {  	[sflag:s15] =	ssyncadd.s32 $0xFFFFCC00  }
0x12a: {  	_ =	swait.ge [sflag:s16], $0x3400  }
0x12b: {  	[sflag:s16] =	ssyncset.done $0x0  }
0x12c: {  	[sflag:s16] =	ssyncadd.s32 $0xFFFFCC00  }
0x12d: {  	_ =	swait.ge [sflag:s17], $0x3400  }
0x12e: {  	[sflag:s17] =	ssyncset.done $0x0  }
0x12f: {  	[sflag:s17] =	ssyncadd.s32 $0xFFFFCC00  }
0x130: {  	_ =	swait.ge [sflag:s18], $0x3400  }
0x131: {  	[sflag:s18] =	ssyncset.done $0x0  }
0x132: {  	s23 =	simm.s32 $0x0;
	s26 =	rddreg [dreg:$0xb];
	[sflag:s18] =	ssyncadd.s32 $0xFFFFCC00  }
0x133: {  	[hbm4b:s26+s23] =	stream.linear.scatter [tilespmem:s1], [sflag:$0xA], $0xD000, $0x38;
	[tilespmem:$0x1C880] =	vst v63  }
0x134: {  	_ =	swait.ge [sflag:s19], $0xD000  }
0x135: {  	[sflag:s19] =	ssyncset.done $0x0  }
0x136: {  	s26 =	rddreg [dreg:$0xc];
	[sflag:s19] =	ssyncadd.s32 $0xFFFF3000  }
0x137: {  	[tilespmem:s23], [sflag:$0xB] =	stream.linear.gather [hbm4b:s26+s23], $0x800, $0x38;
	[tilespmem:$0x1C880] =	vst v63  }
0x138: {  	_ =	swait.ge [sflag:s21], $0x800  }
0x139: {  	[sflag:s21] =	ssyncset.done $0x0  }
0x13a: {  	s25 =	simm.s32 $0x0;
	[sflag:s21] =	ssyncadd.s32 $0xFFFFF800  }
0x13b: {  	v1 =	vld [tilespmem:s25+$0x800]  }
0x13c: {  	v2 =	vld [tilespmem:s25+$0xE80];
	_ =	sdelay $0x4  }
0x13d: {  	s23 =	simm.s32 $0x10;
	v3 =	vand.u32 $0xFFFFFFF8, v2;
	v1 =	vshll.u32 v1, $0x5  }
0x13e: {  	v2 =	vand.u32 $0x7, v2;
	v1 =	vadd.s32 v1, v3;
	v3 =	vld [tilespmem:s23+$0x800]  }
0x13f: {  	v1 =	vor.u32 v2, v1;
	v2 =	vld [tilespmem:s23+$0xE80];
	_ =	sdelay $0x3  }
0x140: {  	v5 =	vshll.u32 v3, $0x5;
	v3 =	vld [tilespmem:s25+$0x1500]  }
0x141: {  	v1 =	vld.idx.msk [tilespmem:v1+s2+$0x0], $0xffff;
	v4 =	vand.u32 $0xFFFFFFF8, v2  }
0x142: {  	s26 =	simm.s32 $0x20;
	v6 =	vand.u32 $0x7, v2;
	v4 =	vadd.s32 v5, v4  }
0x143: {  	s28 =	simm.s32 $0xC0;
	v2 =	vld [tilespmem:s26+$0x800];
	v4 =	vor.u32 v6, v4  }
.LBB2_14:
0x144: {  	p0 =	sne.s32 s28, $0x19C0;
	v5 =	vld [tilespmem:s26+$0xE80];
	_ =	sdelay $0x1  }
0x145: {  	v1 =	vadd.s32 v1, v3  }
.Ltmp6:
0x146: {  	[tilespmem:s25+$0x2200] =	vst v1;
	s25 =	smov.u32 s23;
	s23 =	smov.u32 s26;
	(pc) =	sbr.rel @p0 .LBB2_14-.Ltmp6, $4  }
0x147: {  	v1 =	vld.idx.msk [tilespmem:v4+s2+$0x0], $0xffff  }
0x148: {  	v2 =	vshll.u32 v2, $0x5;
	v4 =	vand.u32 $0xFFFFFFF8, v5;
	v3 =	vld [tilespmem:s25+$0x1500]  }
0x149: {  	s26 =	sshra.s32 s28, $0x2;
	v5 =	vand.u32 $0x7, v5;
	v4 =	vadd.s32 v2, v4  }
0x14a: {  	s28 =	sadd.s32 $0x40, s28;
	v2 =	vld [tilespmem:s26+$0x800];
	v4 =	vor.u32 v5, v4  }
0x14b: {  	v5 =	vld [tilespmem:s26+$0xE80];
	_ =	sdelay $0x1  }
0x14c: {  	v1 =	vadd.s32 v1, v3  }
0x14d: {  	[tilespmem:s25+$0x2200] =	vst v1  }
0x14e: {  	v1 =	vld.idx.msk [tilespmem:v4+s2+$0x0], $0xffff  }
0x14f: {  	v2 =	vshll.u32 v2, $0x5;
	v4 =	vld [tilespmem:s23+$0x1500];
	v3 =	vand.u32 $0xFFFFFFF8, v5  }
0x150: {  	v5 =	vand.u32 $0x7, v5;
	v2 =	vadd.s32 v2, v3  }
0x151: {  	v2 =	vor.u32 v5, v2;
	_ =	sdelay $0x2  }
0x152: {  	v1 =	vadd.s32 v1, v4  }
0x153: {  	[tilespmem:s23+$0x2200] =	vst v1  }
0x154: {  	v1 =	vld.idx.msk [tilespmem:v2+s2+$0x0], $0xffff  }
0x155: {  	v2 =	vld [tilespmem:s26+$0x1500];
	_ =	sdelay $0x4  }
0x156: {  	v1 =	vadd.s32 v1, v2  }
0x157: {  	[tilespmem:s26+$0x2200] =	vst v1  }
0x158: {  	[tilespmem:s1], [sflag:$0x5] =	stream.indirect.gather [hbm4b:s3+s22], $0x20, s0, s22, $0xb8;
	[tilespmem:$0x1C880] =	vst v63  }
0x159: {  	_ = 	snop  }
0x15a: {  	[tilespmem:s5], [sflag:$0x6] =	stream.indirect.gather [hbm4b:s3+s22], $0x20, s4, s22, $0xb8;
	[tilespmem:$0x1C880] =	vst v63  }
0x15b: {  	_ = 	snop  }
0x15c: {  	[tilespmem:s7], [sflag:$0x7] =	stream.indirect.gather [hbm4b:s3+s22], $0x20, s6, s22, $0xb8;
	[tilespmem:$0x1C880] =	vst v63  }
0x15d: {  	_ = 	snop  }
0x15e: {  	[tilespmem:s9], [sflag:$0x8] =	stream.indirect.gather [hbm4b:s3+s22], $0x20, s8, s22, $0xb8;
	[tilespmem:$0x1C880] =	vst v63  }
0x15f: {  	_ =	swait.ge [sflag:s10], $0x3400  }
0x160: {  	[sflag:s10] =	ssyncset.done $0x0  }
0x161: {  	[sflag:s10] =	ssyncadd.s32 $0xFFFFCC00  }
0x162: {  	_ =	swait.ge [sflag:s11], $0x3400  }
0x163: {  	[sflag:s11] =	ssyncset.done $0x0  }
0x164: {  	[sflag:s11] =	ssyncadd.s32 $0xFFFFCC00  }
0x165: {  	_ =	swait.ge [sflag:s12], $0x3400  }
0x166: {  	[sflag:s12] =	ssyncset.done $0x0  }
0x167: {  	[sflag:s12] =	ssyncadd.s32 $0xFFFFCC00  }
0x168: {  	_ =	swait.ge [sflag:s13], $0x3400  }
0x169: {  	[sflag:s13] =	ssyncset.done $0x0  }
0x16a: {  	s23 =	simm.s32 $0x0;
	s26 =	rddreg [dreg:$0xd];
	[sflag:s13] =	ssyncadd.s32 $0xFFFFCC00  }
0x16b: {  	[hbm4b:s26+s23] =	stream.linear.scatter [tilespmem:s24], [sflag:$0x9], $0xD000, $0x38;
	[tilespmem:$0x1C880] =	vst v63  }
0x16c: {  	_ =	swait.ge [sflag:s14], $0xD000  }
0x16d: {  	[sflag:s14] =	ssyncset.done $0x0  }
0x16e: {  	s26 =	rddreg [dreg:$0xe];
	[sflag:s14] =	ssyncadd.s32 $0xFFFF3000  }
0x16f: {  	[tilespmem:s23], [sflag:$0xB] =	stream.linear.gather [hbm4b:s26+s23], $0x800, $0x38;
	[tilespmem:$0x1C880] =	vst v63  }
0x170: {  	_ =	swait.ge [sflag:s21], $0x800  }
0x171: {  	[sflag:s21] =	ssyncset.done $0x0  }
0x172: {  	s25 =	simm.s32 $0x0;
	[sflag:s21] =	ssyncadd.s32 $0xFFFFF800  }
0x173: {  	v1 =	vld [tilespmem:s25+$0x800]  }
0x174: {  	v2 =	vld [tilespmem:s25+$0xE80];
	_ =	sdelay $0x4  }
0x175: {  	s23 =	simm.s32 $0x10;
	v3 =	vand.u32 $0xFFFFFFF8, v2;
	v1 =	vshll.u32 v1, $0x5  }
0x176: {  	v2 =	vand.u32 $0x7, v2;
	v1 =	vadd.s32 v1, v3;
	v3 =	vld [tilespmem:s23+$0x800]  }
0x177: {  	v1 =	vor.u32 v2, v1;
	v2 =	vld [tilespmem:s23+$0xE80];
	_ =	sdelay $0x3  }
0x178: {  	v5 =	vshll.u32 v3, $0x5;
	v3 =	vld [tilespmem:s25+$0x1500]  }
0x179: {  	v1 =	vld.idx.msk [tilespmem:v1+s2+$0x0], $0xffff;
	v4 =	vand.u32 $0xFFFFFFF8, v2  }
0x17a: {  	s26 =	simm.s32 $0x20;
	v6 =	vand.u32 $0x7, v2;
	v4 =	vadd.s32 v5, v4  }
0x17b: {  	s28 =	simm.s32 $0xC0;
	v2 =	vld [tilespmem:s26+$0x800];
	v4 =	vor.u32 v6, v4  }
.LBB2_16:
0x17c: {  	p0 =	sne.s32 s28, $0x19C0;
	v5 =	vld [tilespmem:s26+$0xE80];
	_ =	sdelay $0x1  }
0x17d: {  	v1 =	vadd.s32 v1, v3  }
.Ltmp7:
0x17e: {  	[tilespmem:s25+$0x1B80] =	vst v1;
	s25 =	smov.u32 s23;
	s23 =	smov.u32 s26;
	(pc) =	sbr.rel @p0 .LBB2_16-.Ltmp7, $4  }
0x17f: {  	v1 =	vld.idx.msk [tilespmem:v4+s2+$0x0], $0xffff  }
0x180: {  	v2 =	vshll.u32 v2, $0x5;
	v4 =	vand.u32 $0xFFFFFFF8, v5;
	v3 =	vld [tilespmem:s25+$0x1500]  }
0x181: {  	s26 =	sshra.s32 s28, $0x2;
	v5 =	vand.u32 $0x7, v5;
	v4 =	vadd.s32 v2, v4  }
0x182: {  	s28 =	sadd.s32 $0x40, s28;
	v2 =	vld [tilespmem:s26+$0x800];
	v4 =	vor.u32 v5, v4  }
0x183: {  	v5 =	vld [tilespmem:s26+$0xE80];
	_ =	sdelay $0x1  }
0x184: {  	v1 =	vadd.s32 v1, v3  }
0x185: {  	[tilespmem:s25+$0x1B80] =	vst v1  }
0x186: {  	v1 =	vld.idx.msk [tilespmem:v4+s2+$0x0], $0xffff  }
0x187: {  	v2 =	vshll.u32 v2, $0x5;
	v4 =	vld [tilespmem:s23+$0x1500];
	v3 =	vand.u32 $0xFFFFFFF8, v5  }
0x188: {  	v5 =	vand.u32 $0x7, v5;
	v2 =	vadd.s32 v2, v3  }
0x189: {  	v2 =	vor.u32 v5, v2;
	_ =	sdelay $0x2  }
0x18a: {  	v1 =	vadd.s32 v1, v4  }
0x18b: {  	[tilespmem:s23+$0x1B80] =	vst v1  }
0x18c: {  	v1 =	vld.idx.msk [tilespmem:v2+s2+$0x0], $0xffff  }
0x18d: {  	v2 =	vld [tilespmem:s26+$0x1500];
	_ =	sdelay $0x4  }
0x18e: {  	v1 =	vadd.s32 v1, v2  }
0x18f: {  	[tilespmem:s26+$0x1B80] =	vst v1;
	s26 =	simm.s32 $0x1B80  }
0x190: {  	[tilespmem:s24], [sflag:$0x1] =	stream.indirect.gather [hbm4b:s3+s22], $0x20, s26, s22, $0xb8;
	[tilespmem:$0x1C880] =	vst v63  }
0x191: {  	s25 =	simm.s32 $0x1D20;
	s26 =	simm.s32 $0x5C80  }
0x192: {  	[tilespmem:s26], [sflag:$0x2] =	stream.indirect.gather [hbm4b:s3+s22], $0x20, s25, s22, $0xb8;
	[tilespmem:$0x1C880] =	vst v63  }
0x193: {  	s25 =	simm.s32 $0x1EC0  }
0x194: {  	[tilespmem:s29], [sflag:$0x3] =	stream.indirect.gather [hbm4b:s3+s22], $0x20, s25, s22, $0xb8;
	[tilespmem:$0x1C880] =	vst v63  }
0x195: {  	_ = 	snop  }
0x196: {  	[tilespmem:s31], [sflag:$0x4] =	stream.indirect.gather [hbm4b:s3+s22], $0x20, s30, s22, $0xb8;
	[tilespmem:$0x1C880] =	vst v63  }
0x197: {  	_ =	swait.ge [sflag:s15], $0x3400  }
0x198: {  	[sflag:s15] =	ssyncset.done $0x0  }
0x199: {  	[sflag:s15] =	ssyncadd.s32 $0xFFFFCC00  }
0x19a: {  	_ =	swait.ge [sflag:s16], $0x3400  }
0x19b: {  	[sflag:s16] =	ssyncset.done $0x0  }
0x19c: {  	[sflag:s16] =	ssyncadd.s32 $0xFFFFCC00  }
0x19d: {  	_ =	swait.ge [sflag:s17], $0x3400  }
0x19e: {  	[sflag:s17] =	ssyncset.done $0x0  }
0x19f: {  	[sflag:s17] =	ssyncadd.s32 $0xFFFFCC00  }
0x1a0: {  	_ =	swait.ge [sflag:s18], $0x3400  }
0x1a1: {  	[sflag:s18] =	ssyncset.done $0x0  }
0x1a2: {  	s23 =	simm.s32 $0x0;
	s26 =	rddreg [dreg:$0xf];
	[sflag:s18] =	ssyncadd.s32 $0xFFFFCC00  }
0x1a3: {  	[hbm4b:s26+s23] =	stream.linear.scatter [tilespmem:s1], [sflag:$0xA], $0xD000, $0x38;
	[tilespmem:$0x1C880] =	vst v63  }
0x1a4: {  	_ =	swait.ge [sflag:s19], $0xD000  }
0x1a5: {  	[sflag:s19] =	ssyncset.done $0x0  }
0x1a6: {  	s26 =	rddreg [dreg:$0x10];
	[sflag:s19] =	ssyncadd.s32 $0xFFFF3000  }
0x1a7: {  	[tilespmem:s23], [sflag:$0xB] =	stream.linear.gather [hbm4b:s26+s23], $0x800, $0x38;
	[tilespmem:$0x1C880] =	vst v63  }
0x1a8: {  	_ =	swait.ge [sflag:s21], $0x800  }
0x1a9: {  	[sflag:s21] =	ssyncset.done $0x0  }
0x1aa: {  	s25 =	simm.s32 $0x0;
	[sflag:s21] =	ssyncadd.s32 $0xFFFFF800  }
0x1ab: {  	v1 =	vld [tilespmem:s25+$0x800]  }
0x1ac: {  	v2 =	vld [tilespmem:s25+$0xE80];
	_ =	sdelay $0x4  }
0x1ad: {  	s23 =	simm.s32 $0x10;
	v3 =	vand.u32 $0xFFFFFFF8, v2;
	v1 =	vshll.u32 v1, $0x5  }
0x1ae: {  	v2 =	vand.u32 $0x7, v2;
	v1 =	vadd.s32 v1, v3;
	v3 =	vld [tilespmem:s23+$0x800]  }
0x1af: {  	v1 =	vor.u32 v2, v1;
	v2 =	vld [tilespmem:s23+$0xE80];
	_ =	sdelay $0x3  }
0x1b0: {  	v5 =	vshll.u32 v3, $0x5;
	v3 =	vld [tilespmem:s25+$0x1500]  }
0x1b1: {  	v1 =	vld.idx.msk [tilespmem:v1+s2+$0x0], $0xffff;
	v4 =	vand.u32 $0xFFFFFFF8, v2  }
0x1b2: {  	s26 =	simm.s32 $0x20;
	v6 =	vand.u32 $0x7, v2;
	v4 =	vadd.s32 v5, v4  }
0x1b3: {  	s28 =	simm.s32 $0xC0;
	v2 =	vld [tilespmem:s26+$0x800];
	v4 =	vor.u32 v6, v4  }
.LBB2_18:
0x1b4: {  	p0 =	sne.s32 s28, $0x19C0;
	v5 =	vld [tilespmem:s26+$0xE80];
	_ =	sdelay $0x1  }
0x1b5: {  	v1 =	vadd.s32 v1, v3  }
.Ltmp8:
0x1b6: {  	[tilespmem:s25+$0x2200] =	vst v1;
	s25 =	smov.u32 s23;
	s23 =	smov.u32 s26;
	(pc) =	sbr.rel @p0 .LBB2_18-.Ltmp8, $4  }
0x1b7: {  	v1 =	vld.idx.msk [tilespmem:v4+s2+$0x0], $0xffff  }
0x1b8: {  	v2 =	vshll.u32 v2, $0x5;
	v4 =	vand.u32 $0xFFFFFFF8, v5;
	v3 =	vld [tilespmem:s25+$0x1500]  }
0x1b9: {  	s26 =	sshra.s32 s28, $0x2;
	v5 =	vand.u32 $0x7, v5;
	v4 =	vadd.s32 v2, v4  }
0x1ba: {  	s28 =	sadd.s32 $0x40, s28;
	v2 =	vld [tilespmem:s26+$0x800];
	v4 =	vor.u32 v5, v4  }
0x1bb: {  	v5 =	vld [tilespmem:s26+$0xE80];
	_ =	sdelay $0x1  }
0x1bc: {  	v1 =	vadd.s32 v1, v3  }
0x1bd: {  	[tilespmem:s25+$0x2200] =	vst v1  }
0x1be: {  	v1 =	vld.idx.msk [tilespmem:v4+s2+$0x0], $0xffff  }
0x1bf: {  	v2 =	vshll.u32 v2, $0x5;
	v63 =	vld [tilespmem:s23+$0x1500];
	v3 =	vand.u32 $0xFFFFFFF8, v5  }
0x1c0: {  	v5 =	vand.u32 $0x7, v5;
	v2 =	vadd.s32 v2, v3  }
0x1c1: {  	v2 =	vor.u32 v5, v2;
	_ =	sdelay $0x2  }
0x1c2: {  	v1 =	vadd.s32 v1, v63  }
0x1c3: {  	[tilespmem:s23+$0x2200] =	vst v1  }
0x1c4: {  	v1 =	vld.idx.msk [tilespmem:v2+s2+$0x0], $0xffff  }
0x1c5: {  	v2 =	vld [tilespmem:s26+$0x1500];
	_ =	sdelay $0x4  }
0x1c6: {  	v1 =	vadd.s32 v1, v2  }
0x1c7: {  	[tilespmem:s26+$0x2200] =	vst v1  }
0x1c8: {  	[tilespmem:s1], [sflag:$0x5] =	stream.indirect.gather [hbm4b:s3+s22], $0x20, s0, s22, $0xb8;
	[tilespmem:$0x1C880] =	vst v63  }
0x1c9: {  	_ = 	snop  }
0x1ca: {  	[tilespmem:s5], [sflag:$0x6] =	stream.indirect.gather [hbm4b:s3+s22], $0x20, s4, s22, $0xb8;
	[tilespmem:$0x1C880] =	vst v63  }
0x1cb: {  	_ = 	snop  }
0x1cc: {  	[tilespmem:s7], [sflag:$0x7] =	stream.indirect.gather [hbm4b:s3+s22], $0x20, s6, s22, $0xb8;
	[tilespmem:$0x1C880] =	vst v63  }
0x1cd: {  	_ = 	snop  }
0x1ce: {  	[tilespmem:s9], [sflag:$0x8] =	stream.indirect.gather [hbm4b:s3+s22], $0x20, s8, s22, $0xb8;
	[tilespmem:$0x1C880] =	vst v63  }
0x1cf: {  	_ =	swait.ge [sflag:s10], $0x3400  }
0x1d0: {  	[sflag:s10] =	ssyncset.done $0x0  }
0x1d1: {  	[sflag:s10] =	ssyncadd.s32 $0xFFFFCC00  }
0x1d2: {  	_ =	swait.ge [sflag:s11], $0x3400  }
0x1d3: {  	[sflag:s11] =	ssyncset.done $0x0  }
0x1d4: {  	[sflag:s11] =	ssyncadd.s32 $0xFFFFCC00  }
0x1d5: {  	_ =	swait.ge [sflag:s12], $0x3400  }
0x1d6: {  	[sflag:s12] =	ssyncset.done $0x0  }
0x1d7: {  	[sflag:s12] =	ssyncadd.s32 $0xFFFFCC00  }
0x1d8: {  	_ =	swait.ge [sflag:s13], $0x3400  }
0x1d9: {  	[sflag:s13] =	ssyncset.done $0x0  }
0x1da: {  	s25 =	rddreg [dreg:$0x11];
	[sflag:s13] =	ssyncadd.s32 $0xFFFFCC00  }
0x1db: {  	[hbm4b:s25+s2] =	stream.linear.scatter [tilespmem:s24], [sflag:$0x9], $0xD000, $0x38;
	[tilespmem:$0x1C880] =	vst v63  }
0x1dc: {  	_ =	swait.ge [sflag:s15], $0x3400  }
0x1dd: {  	[sflag:s15] =	ssyncset.done $0x0  }
0x1de: {  	[sflag:s15] =	ssyncadd.s32 $0xFFFFCC00  }
0x1df: {  	_ =	swait.ge [sflag:s16], $0x3400  }
0x1e0: {  	[sflag:s16] =	ssyncset.done $0x0  }
0x1e1: {  	[sflag:s16] =	ssyncadd.s32 $0xFFFFCC00  }
0x1e2: {  	_ =	swait.ge [sflag:s17], $0x3400  }
0x1e3: {  	[sflag:s17] =	ssyncset.done $0x0  }
0x1e4: {  	[sflag:s17] =	ssyncadd.s32 $0xFFFFCC00  }
0x1e5: {  	_ =	swait.ge [sflag:s18], $0x3400  }
0x1e6: {  	[sflag:s18] =	ssyncset.done $0x0  }
0x1e7: {  	s26 =	rddreg [dreg:$0x12];
	[sflag:s18] =	ssyncadd.s32 $0xFFFFCC00  }
0x1e8: {  	[hbm4b:s26+s2] =	stream.linear.scatter [tilespmem:s1], [sflag:$0xA], $0xD000, $0x38;
	[tilespmem:$0x1C880] =	vst v63  }
0x1e9: {  	_ =	swait.ge [sflag:s14], $0xD000  }
0x1ea: {  	[sflag:s14] =	ssyncset.done $0x0  }
0x1eb: {  	[sflag:s14] =	ssyncadd.s32 $0xFFFF3000  }
0x1ec: {  	_ =	swait.ge [sflag:s19], $0xD000  }
0x1ed: {  	s20 =	sadd.s32 $0x1, s20;
	s28 =	rddreg [dreg:$0x13]  }
0x1ee: {  	p0 =	sne.s32 s20, s28  }
.Ltmp9:
0x1ef: {  	_ = 	snop;
	(pc) =	sbr.rel @p0 .LBB2_1-.Ltmp9, $3  }
0x1f0: {  	_ =	sdelay $0x1  }
0x1f1: {  	[sflag:s19] =	ssyncset.done $0x0  }
0x1f2: {  	[sflag:s19] =	ssyncadd.s32 $0xFFFF3000  }
0x1f3: {  	_ =	sfence.sel $0x180000  }
0x1f4: {  	[bflag:$0x0] =	sbarrier.arrive $0xFFFF  }
0x1f5: {  	_ =	strace $0x90000047  }
0x1f6: {  	s0 =	stileid.u32;
	[bflag:$0x2] =	sbarrier.arrive $0xFFFF  }
0x1f7: {  	p0 =	sne.s32 s0, $0x0;
	s0 =	rddreg [dreg:$0x2]  }
0x1f8: {  	s0 =	sadd.s32 @!p0 $0x100000, s0  }
0x1f9: {  	[sflag:s0] =	ssyncadd.tile.s32 @!p0 $0x1;
	_ =	shalt  }
.Lfunc_end2:
_tile_overlayer_lowered:
.L_overlay_start_2:
0x1fa: {  	(tag) =	ssettag $0x2  }
0x1fb: {  	s0 =	rddreg [dreg:$0x0];
	s2 =	stileid.u32  }
0x1fc: {  	s1 =	rddreg [dreg:$0x1];
	p0 =	sne.s32 s2, $0x0  }
0x1fd: {  	s3 =	rddreg [dreg:$0x2];
	[bflag:$0x3] =	sbarrier.arrive $0xFFFF;
	s2 =	simm.s32 @!p0 $0x1C0B  }
0x1fe: {  	[timem:s3], [sflag:s2] =	dma.local @!p0 [hbm:s0], s1  }
0x1ff: {  	s0 =	simm.s32 @!p0 $0xB  }
0x200: {  	_ =	swait.ge @!p0 [sflag:s0], s1  }
0x201: {  	s1 =	ssub.s32 @!p0 $0x0, s1;
	[sflag:s0] =	ssyncset.done @!p0 $0x0  }
0x202: {  	[sflag:s0] =	ssyncadd.s32 @!p0 s1  }
0x203: {  	[bflag:$0x3] =	sbarrier.arrive $0xFFFF  }
0x204: {  	_ =	shalt  }

// kernel: sparse-core-data-format-call.cloned.1.call-start
scs
called_computation_lowered:
.L_overlay_start_0:
0x0: {  	s2 =	sld [smem:$0x3FD9]  }
0x1: {  	s3 =	sld [smem:$0x3FFE];
	_ =	sdelay $0x1  }
0x2: {  	s1 =	srdreg.scid  }
0x3: {  	s0 =	sand.u32 $0x1, s1  }
0x4: {  	s18 =	sshll.u32 s0, $0xA;
	s2 =	sadd.s32 s3, s2  }
0x5: {  	s2 =	sadd.s32 s2, s18  }
0x6: {  	[smem:$0x3FC6] =	sst s2  }
0x7: {  	_ = 	snop  }
0x8: {  	s2 =	sld [smem:$0x3FD0];
	(tm) =	ssettm $0x1  }
0x9: {  	s19 =	sld [smem:$0x3FFB];
	_ =	sdelay $0x3  }
0xa: {  	_ =	strace s19  }
0xb: {  	s3 =	sld [smem:$0x3FFC];
	_ =	sdelay $0x3  }
0xc: {  	_ =	strace s3  }
0xd: {  	s3 =	sld [smem:$0x3FFD];
	_ =	sdelay $0x3  }
0xe: {  	_ =	strace s3  }
0xf: {  	_ =	strace $0x8FFFFFFF  }
0x10: {  	s20 =	sld [smem:$0x3FDB];
	_ =	sdelay $0x1  }
0x11: {  	s4 =	simm.s32 $_scs_section_size  }
0x12: {  	s5 =	simm.s32 $_size__tile_overlayer_lowered;
	s6 =	simm.s32 $_tile_overlayer_lowered  }
0x13: {  	s23 =	simm.s32 $0x1BFF;
	s22 =	sshll.u32 s6, $0x1;
	s3 =	sadd.s32 s4, s20  }
0x14: {  	s7 =	simm.s32 $0x0;
	s21 =	sshll.u32 s5, $0x1;
	s5 =	sadd.s32 s22, s3  }
0x15: {  	[timem:s7], [sflag:s23] =	dma.local [hbm:s5], s21  }
0x16: {  	_ =	swait.ge [sflag:s23], s21  }
0x17: {  	s4 =	ssub.s32 $0x0, s21;
	[sflag:s23] =	ssyncset.done $0x0  }
0x18: {  	[sflag:s23] =	ssyncadd.s32 s4;
	_ =	sdelay $0x1  }
0x19: {  	s24 =	simm.s32 $0x1B8B  }
0x1a: {  	_ =	swait.ge [sflag:s24], $0x1  }
0x1b: {  	[sflag:s24] =	ssyncset.done $0x0  }
0x1c: {  	s26 =	simm.s32 $0x1B8E;
	s25 =	sld [smem:$0x3FFE];
	[sflag:s24] =	ssyncadd.s32 $0xFFFFFFFF  }
0x1d: {  	s27 =	simm.s32 $execute0_lowered;
	[smem:$0x3FD2] =	sst s26  }
0x1e: {  	s5 =	sshll.u32 s27, $0x1;
	_ =	strace $0x80000049;
	[dreg:$0x1] =	wrdreg $0xFFFFFFFF  }
0x1f: {  	s28 =	simm.s32 $_size_execute0_lowered;
	s3 =	sadd.s32 s3, s5;
	[dreg:$0x0] =	wrdreg $0x0  }
0x20: {  	s5 =	sshll.u32 s28, $0x1;
	[dreg:$0x2] =	wrdreg s3  }
0x21: {  	[dreg:$0x3] =	wrdreg s5  }
0x22: {  	[dreg:$0x4] =	wrdreg $0xC0  }
0x23: {  	_ =	task [dreg:s7], $0x5FFFF  }
0x24: {  	[dreg:$0x1] =	wrdreg $0xFFFFFFFF  }
0x25: {  	[dreg:$0x0] =	wrdreg $0x60  }
0x26: {  	[dreg:$0x2] =	wrdreg s25  }
0x27: {  	[dreg:$0x3] =	wrdreg s2  }
0x28: {  	[dreg:$0x4] =	wrdreg $0x9  }
0x29: {  	_ =	task.clear_ibuf [dreg:s7], $0x5FFFF;
	_ =	strace $0x90000049  }
0x2a: {  	s29 =	simm.s32 $0x9;
	_ =	strace $0x8000004B  }
0x2b: {  	_ =	swait.ge [sflag:s29], $0x1  }
0x2c: {  	[sflag:s29] =	ssyncadd.s32 $0xFFFFFFFF  }
0x2d: {  	_ =	strace $0x9000004B  }
0x2e: {  	_ =	sfence  }
0x2f: {  	s30 =	sld [smem:$0x0];
	_ =	sdelay $0x2  }
0x30: {  	s31 =	sshll.u32 s1, $0xD;
	s1 =	sshrl.u32 s1, $0x2  }
0x31: {  	s3 =	sand.u32 $0x4000, s31;
	s1 =	sadd.s32 s1, s30  }
0x32: {  	s0 =	sor.u32 s3, s0;
	s1 =	sshll.u32 s1, $0x11  }
0x33: {  	s0 =	sor.u32 s1, s0  }
0x34: {  	s0 =	sadd.s32 $0x8F2B, s0  }
0x35: {  	[sflag:s0] =	ssyncadd.remote.s32 $0x1  }
0x36: {  	_ =	sfence.sel $0xFFFF  }
0x37: {  	[dreg:$0x0] =	wrdreg $0xFFFFFFFF;
	(pc) =	sbr.abs _section_cstart, $3  }
0x38: {  	[dreg:$0x1] =	wrdreg $0xFFFFFFFF  }
0x39: {  	_ =	task.clear_ibuf [dreg:s7], $0x2FFFF;
	_ =	strace $0x9FFFFFFF  }
0x3a: {  	(tm) =	ssettm $0x7FFFFFFF  }
0x3b: {  	_ =	shalt  }
tec
execute0_lowered:
.L_overlay_start_1:
0x0: {  	(tag) =	ssettag $0x1  }
0x1: {  	s0 =	srdreg.scid  }
0x2: {  	s1 =	sshll.u32 s0, $0x4  }
0x3: {  	s6 =	rddreg [dreg:$0x0];
	s0 =	stileid.u32;
	s1 =	sand.u32 $0x10, s1  }
0x4: {  	s3 =	rddreg [dreg:$0x1];
	s1 =	sor.u32 s0, s1  }
0x5: {  	s5 =	simm.s32 $0x1;
	s31 =	simm.s32 $0x2;
	s2 =	sshll.u32 s1, $0x7  }
0x6: {  	s15 =	simm.s32 $0x0;
	s8 =	simm.s32 $0x20000;
	s4 =	ssub.s32 $0x4000, s2  }
0x7: {  	s14 =	simm.s32 $0x0;
	s9 =	simm.s32 $0x0;
	s30 =	sand.u32 $0xF80, s4  }
0x8: {  	s10 =	simm.s32 $0x0;
	s11 =	simm.s32 $0x0;
	p0 =	sne.s32 s30, $0x0  }
.Ltmp0:
0x9: {  	s7 =	sshrl.u32 s4, $0xC;
	s5 =	simm.s32 @!p0 $0x0;
	(pc) =	sbr.rel .LBB1_1-.Ltmp0, $4  }
0xa: {  	s13 =	simm.s32 $0x0;
	s1 =	rddreg [dreg:$0x2];
	s5 =	sadd.s32 s5, s7  }
0xb: {  	_ =	strace $0x8000004A;
	s4 =	simm.s32 $0x1;
	s5 =	smul.u32 $0x7, s5  }
0xc: {  	s6 =	sadd.s32 $0xA00, s6;
	s12 =	smov.u32 s2;
	[sflag:s4] =	ssyncpa.u1 $0x0  }
0xd: {  	[sflag:s31] =	ssyncpa.u1 $0x0;
	p0 =	por $0x0, $0x0;
	s7 =	sadd.s32 $0x1, s5  }
.LBB1_4:
0xe: {  	s20 =	sshra.s32 s20, $0x2  }
0xf: {  	s28 =	sand.u32 $0x78, s10;
	s21 =	sshll.u32 s9, $0xE;
	s22 =	sshll.u32 s10, $0x3  }
0x10: {  	s24 =	sshll.u32 s9, $0x7;
	p1 =	sgt.s32 s9, $0x2C0;
	s30 =	sshra.s32 s9, $0x1F  }
0x11: {  	s26 =	sshra.s32 s10, $0x1F;
	s19 =	sadd.s32 s20, s19;
	s21 =	sand.u32 $0xFFFE0000, s21  }
0x12: {  	v5 =	vld [tilespmem:s17+$0xFFFFFFD0];
	[tilespmem:s18+$0x2040 ss:$0x81] =	vst.msk $0xffff, v4;
	s23 =	sand.u32 $0xFFFFFC00, s22;
	s29 =	sand.u32 $0x380, s24;
	s22 =	sand.u32 $0x3C00, s22  }
0x13: {  	v58 =	vld [tilespmem:s17+$0xFFFFFFE0];
	[tilespmem:s18+$0x2850 ss:$0x81] =	vst.msk $0xffff, v3;
	s21 =	sadd.s32 s23, s21;
	s20 =	sor.u32 s28, s22;
	s22 =	smov.u32 s9  }
0x14: {  	v59 =	vld [tilespmem:s17+$0xFFFFFFF0];
	[tilespmem:s18+$0x3060 ss:$0x81] =	vst.msk $0xffff, v2;
	s24 =	sand.u32 s30, s9;
	s21 =	sshrl.u32 s21, $0xE;
	s22 =	simm.s32 @!p1 $0x2C0  }
0x15: {  	v60 =	vld [tilespmem:s17+$0x0];
	[tilespmem:s18+$0x0 ss:$0x81] =	vst.msk $0xffff, v1;
	p1 =	sgt.s32 s10, $0x3F80;
	s31 =	ssub.s32 s22, s24;
	s22 =	smov.u32 s10  }
0x16: {  	v61 =	vld [tilespmem:s17+$0x10];
	[tilespmem:s19+$0x3870 ss:$0x81] =	vst.msk $0xffff, v0;
	s25 =	smulhi.u32 $0x4EC4ED, s21;
	s24 =	sand.u32 s26, s10;
	s22 =	simm.s32 @!p1 $0x3F80  }
0x17: {  	v62 =	vld [tilespmem:s17+$0x20];
	s20 =	sor.u32 s29, s20;
	[tilespmem:s19+$0x810 ss:$0x81] =	vst.msk $0xffff, v5;
	s27 =	sadd.s32 $0xFFFFFD40, s31;
	s22 =	ssub.s32 s22, s24  }
0x18: {  	v63 =	vld [tilespmem:s17+$0xFFFFFFC0];
	[tilespmem:s19+$0x1020 ss:$0x81] =	vst.msk $0xffff, v58;
	s18 =	ssub.s32 $0x340, s31;
	s28 =	smul.u32 $0x340, s25;
	s29 =	sadd.s32 $0xFFFFC080, s22  }
0x19: {  	[tilespmem:s19+$0x1830 ss:$0x81] =	vst.msk $0xffff, v59;
	p1 =	sgt.s32 s27, $0x7F;
	s22 =	ssub.s32 $0x4000, s22;
	p2 =	sgt.s32 s29, $0x7F  }
0x1a: {  	s30 =	sand.u32 $0x7, s10;
	[tilespmem:s19+$0x2040 ss:$0x81] =	vst.msk $0xffff, v60;
	s18 =	simm.s32 @p1 $0x0;
	s22 =	simm.s32 @p2 $0x0  }
0x1b: {  	s20 =	sshrl.u32 s20, $0x3;
	[tilespmem:s19+$0x2850 ss:$0x81] =	vst.msk $0xffff, v61;
	s17 =	ssub.s32 s21, s28;
	s18 =	smul.u32 s22, s18  }
0x1c: {  	[tilespmem:s19+$0x3060 ss:$0x81] =	vst.msk $0xffff, v62;
	s20 =	sadd.s32 s3, s20;
	s21 =	sshll.u32 s30, $0x12;
	s17 =	sshll.u32 s17, $0xB  }
0x1d: {  	[tilespmem:s19+$0x0 ss:$0x81] =	vst.msk $0xffff, v63;
	s31 =	sor.u32 $0x400, s21;
	s17 =	sadd.s32 s17, s20;
	s18 =	sand.u32 $0x3FFFFFFF, s18  }
0x1e: {  	[hbm4b:s17+s31] =	stream.strided.scatter [tilespmem:s16], [sflag:$0x2], s18, s8, s31, $0x20;
	[tilespmem:$0x10100] =	vst v63  }
.LBB1_5:
0x1f: {  	p1 =	slt.u32 s13, $0x2  }
0x20: {  	s17 =	smov.u32 s15;
	p2 =	sgt.s32 @!p1 s15, $0x2C0;
	s16 =	sshra.s32 @!p1 s15, $0x1F  }
0x21: {  	p3 =	sgt.s32 @!p1 s14, $0x3F80;
	s18 =	sshra.s32 @!p1 s14, $0x1F;
	p2 =	por !p2, p1  }
0x22: {  	s15 =	sand.u32 @!p1 s16, s15;
	p3 =	por !p3, p1;
	s16 =	smov.u32 s14  }
0x23: {  	s14 =	sand.u32 @!p1 s18, s14;
	s17 =	simm.s32 @p2 $0x2C0;
	s16 =	simm.s32 @p3 $0x3F80  }
0x24: {  	s15 =	ssub.s32 @!p1 s17, s15;
	s14 =	ssub.s32 @!p1 s16, s14  }
0x25: {  	s18 =	smov.u32 s12;
	s16 =	sadd.s32 @!p1 $0xFFFFFD40, s15;
	s17 =	sadd.s32 @!p1 $0xFFFFC080, s14  }
0x26: {  	s15 =	ssub.s32 @!p1 $0x340, s15;
	p2 =	sgt.s32 @!p1 s16, $0x7F;
	p3 =	sgt.s32 @!p1 s17, $0x7F  }
0x27: {  	s14 =	ssub.s32 @!p1 $0x4000, s14;
	p2 =	por !p2, p1;
	p3 =	por !p3, p1  }
0x28: {  	s16 =	sadd.s32 $0x80, s11;
	s15 =	simm.s32 @!p2 $0x0;
	s14 =	simm.s32 @!p3 $0x0  }
0x29: {  	p2 =	sgt.s32 s16, $0x33F;
	s14 =	smul.u32 @!p1 s14, s15;
	s15 =	sadd.s32 $0x1000, s12  }
0x2a: {  	s18 =	smov.u32 @p2 s15  }
0x2b: {  	s16 =	simm.s32 @p2 $0x0;
	p2 =	sgt.s32 s18, $0x3FFF  }
0x2c: {  	s18 =	smov.u32 @p2 s2;
	p2 =	sne.s32 s13, s7  }
.Ltmp1:
0x2d: {  	p0 =	por !p0, !p0;
	s17 =	simm.s32 @!p1 $0x2;
	(pc) =	sbr.rel @!p2 .LBB1_6-.Ltmp1, $4  }
0x2e: {  	s15 =	smov.u32 s9;
	s9 =	smov.u32 s11;
	s14 =	sand.u32 @!p1 $0x3FFFFFFF, s14  }
0x2f: {  	s11 =	smov.u32 s16;
	_ =	swait.ge @!p1 [sflag:s17], s14;
	s19 =	ssub.s32 @!p1 $0x0, s14  }
0x30: {  	s14 =	smov.u32 s10;
	s13 =	sadd.s32 $0x1, s13;
	[sflag:s17] =	ssyncset.done @!p1 $0x0  }
0x31: {  	s10 =	smov.u32 s12;
	s12 =	smov.u32 s18;
	[sflag:s17] =	ssyncadd.s32 @!p1 s19  }
.LBB1_1:
0x32: {  	p1 =	sge.u32 s13, s5  }
0x33: {  	s16 =	sshrl.u32 @!p1 s12, $0x3  }
0x34: {  	s17 =	sshll.u32 @!p1 s11, $0x3;
	s16 =	smul.u32 @!p1 $0x1C00, s16  }
0x35: {  	s18 =	sshll.u32 @!p1 s12, $0x7;
	s17 =	sand.u32 @!p1 $0xFFFFFC00, s17  }
0x36: {  	s16 =	sadd.s32 @!p1 s16, s17;
	s17 =	sand.u32 @!p1 $0x380, s18  }
0x37: {  	s16 =	sor.u32 @!p1 s17, s16  }
0x38: {  	s17 =	sshrl.u32 @!p1 s16, $0x7  }
0x39: {  	s17 =	smulhi.u32 @!p1 $0x24924925, s17;
	_ =	sdelay $0x1  }
0x3a: {  	s18 =	sand.u32 @!p1 $0x7F, s11;
	s19 =	smul.u32 @!p1 $0x380, s17  }
0x3b: {  	s31 =	sadd.s32 $0xFFFFFFFF, s13;
	s16 =	sor.u32 @!p1 s18, s16;
	s18 =	sxor.u32 @!p1 $0xFFFFFFFF, s13  }
0x3c: {  	s18 =	sshll.u32 @!p1 s18, $0xE;
	s17 =	sand.u32 @!p1 $0x3FFF, s17;
	s16 =	ssub.s32 @!p1 s16, s19  }
0x3d: {  	s17 =	smul.u32 @!p1 $0x70, s17;
	s19 =	sshrl.u32 @!p1 s16, $0x3;
	s16 =	sand.u32 @!p1 $0x7, s16  }
0x3e: {  	s18 =	sand.u32 @!p1 $0x4000, s18;
	s19 =	sadd.s32 @!p1 s6, s19;
	s16 =	sshll.u32 @!p1 s16, $0x12  }
0x3f: {  	s17 =	sadd.s32 @!p1 s17, s19;
	s16 =	sor.u32 @!p1 $0x400, s16;
	s19 =	simm.s32 @!p1 $0x1C00  }
0x40: {  	[tilespmem:s18], [sflag:$0x1] =	stream.strided.gather @!p1 [hbm4b:s17+s16], $0x4000, s19, s16, $0x38;
	[tilespmem:$0x10100] =	vst v63  }
0x41: {  	p1 =	sge.u32 s31, s5  }
.Ltmp2:
0x42: {  	_ = 	snop;
	(pc) =	sbr.rel @p1 .LBB1_5-.Ltmp2, $1  }
0x43: {  	_ =	sdelay $0x3  }
0x44: {  	s16 =	simm.s32 $0x1  }
0x45: {  	_ =	swait.ge [sflag:s4], $0x4000;
	s16 =	simm.s32 @!p0 $0x0  }
0x46: {  	[sflag:s4] =	ssyncset.done $0x0;
	s17 =	sshll.u32 s16, $0xE  }
0x47: {  	[sflag:s4] =	ssyncadd.s32 $0xFFFFC000;
	s17 =	sor.u32 $0x40, s17  }
0x48: {  	s16 =	smul.u32 $0x10200, s16;
	v0 =	vld [tilespmem:s17+$0x30]  }
0x49: {  	v1 =	vld [tilespmem:s17+$0xFFFFFFD0]  }
0x4a: {  	s16 =	sshrl.u32 s16, $0x2;
	v5 =	vld [tilespmem:s17+$0xFFFFFFE0]  }
0x4b: {  	v6 =	vld [tilespmem:s17+$0xFFFFFFF0];
	s19 =	sor.u32 $0x8000, s16  }
0x4c: {  	s31 =	sand.u32 $0x1, s13;
	v4 =	vld [tilespmem:s17+$0x0];
	s18 =	sadd.s32 $0x0, s19  }
0x4d: {  	v3 =	vld [tilespmem:s17+$0x10];
	s16 =	smul.u32 $0x10200, s31;
	[tilespmem:s18+$0x3870 ss:$0x81] =	vst.msk $0xffff, v0  }
0x4e: {  	v2 =	vld [tilespmem:s17+$0x20];
	[tilespmem:s18+$0x810 ss:$0x81] =	vst.msk $0xffff, v1  }
0x4f: {  	s16 =	sshrl.u32 s16, $0x2;
	v1 =	vld [tilespmem:s17+$0xFFFFFFC0];
	[tilespmem:s18+$0x1020 ss:$0x81] =	vst.msk $0xffff, v5;
	s17 =	sadd.s32 $0x80, s17  }
0x50: {  	s20 =	simm.s32 $0x4;
	s21 =	simm.s32 $0x8;
	s16 =	sor.u32 $0x8000, s16;
	[tilespmem:s18+$0x1830 ss:$0x81] =	vst.msk $0xffff, v6;
	v0 =	vld [tilespmem:s17+$0x30]  }
.LBB1_3:
0x51: {  	p1 =	sne.s32 s21, $0x1FC;
	v5 =	vld [tilespmem:s17+$0xFFFFFFD0];
	[tilespmem:s18+$0x2040 ss:$0x81] =	vst.msk $0xffff, v4  }
0x52: {  	v6 =	vld [tilespmem:s17+$0xFFFFFFE0];
	[tilespmem:s18+$0x2850 ss:$0x81] =	vst.msk $0xffff, v3  }
0x53: {  	s22 =	sshra.s32 s20, $0x2;
	s20 =	smov.u32 s21;
	v7 =	vld [tilespmem:s17+$0xFFFFFFF0];
	[tilespmem:s18+$0x3060 ss:$0x81] =	vst.msk $0xffff, v2  }
.Ltmp3:
0x54: {  	v4 =	vld [tilespmem:s17+$0x0];
	[tilespmem:s18+$0x0 ss:$0x81] =	vst.msk $0xffff, v1;
	s18 =	sadd.s32 s22, s19;
	(pc) =	sbr.rel @p1 .LBB1_3-.Ltmp3, $4  }
0x55: {  	v3 =	vld [tilespmem:s17+$0x10];
	[tilespmem:s18+$0x3870 ss:$0x81] =	vst.msk $0xffff, v0  }
0x56: {  	[tilespmem:s18+$0x810 ss:$0x81] =	vst.msk $0xffff, v5;
	v2 =	vld [tilespmem:s17+$0x20]  }
0x57: {  	v1 =	vld [tilespmem:s17+$0xFFFFFFC0];
	[tilespmem:s18+$0x1020 ss:$0x81] =	vst.msk $0xffff, v6;
	s17 =	sadd.s32 $0x80, s17  }
0x58: {  	s21 =	sadd.s32 $0x4, s21;
	v0 =	vld [tilespmem:s17+$0x30];
	[tilespmem:s18+$0x1830 ss:$0x81] =	vst.msk $0xffff, v7  }
.Ltmp4:
0x59: {  	_ = 	snop;
	(pc) =	sbr.rel .LBB1_4-.Ltmp4, $1  }
0x5a: {  	_ =	sdelay $0x3  }
.LBB1_6:
0x5b: {  	_ =	sfence.sel $0x180000  }
0x5c: {  	s2 =	simm.s32 $0x1;
	[bflag:$0x0] =	sbarrier.arrive $0xFFFF  }
0x5d: {  	s31 =	simm.s32 $0x2;
	[sflag:s2] =	ssyncpa.u1 $0x1  }
0x5e: {  	[sflag:s31] =	ssyncpa.u1 $0x1  }
0x5f: {  	p0 =	sne.s32 s0, $0x0;
	_ =	strace $0x9000004A  }
0x60: {  	s0 =	sadd.s32 @!p0 $0x100000, s1;
	[bflag:$0x2] =	sbarrier.arrive $0xFFFF  }
0x61: {  	[sflag:s0] =	ssyncadd.tile.s32 @!p0 $0x1;
	_ =	shalt  }
.Lfunc_end1:
_tile_overlayer_lowered:
.L_overlay_start_2:
0x62: {  	(tag) =	ssettag $0x2  }
0x63: {  	s0 =	rddreg [dreg:$0x0];
	s2 =	stileid.u32  }
0x64: {  	s1 =	rddreg [dreg:$0x1];
	p0 =	sne.s32 s2, $0x0  }
0x65: {  	s3 =	rddreg [dreg:$0x2];
	[bflag:$0x3] =	sbarrier.arrive $0xFFFF;
	s2 =	simm.s32 @!p0 $0x1C01  }
0x66: {  	[timem:s3], [sflag:s2] =	dma.local @!p0 [hbm:s0], s1  }
0x67: {  	s0 =	simm.s32 @!p0 $0x1  }
0x68: {  	_ =	swait.ge @!p0 [sflag:s0], s1  }
0x69: {  	s1 =	ssub.s32 @!p0 $0x0, s1;
	[sflag:s0] =	ssyncset.done @!p0 $0x0  }
0x6a: {  	[sflag:s0] =	ssyncadd.s32 @!p0 s1  }
0x6b: {  	[bflag:$0x3] =	sbarrier.arrive $0xFFFF  }
0x6c: {  	_ =	shalt  }

</sc_bundles>
